<compile_context>
chip_gen: v7x
topology: tpu7x:2x2x1
jax: 0.10.2.dev20260603
libtpu: 0.0.44.dev20260713+nightly
codegen_flags: <defaults>
</compile_context>

<pallas_src>
import functools

import jax
import jax.numpy as jnp
from jax import lax
from jax.experimental import pallas as pl
from jax.experimental.pallas import tpu as pltpu
from jax.experimental.pallas import tpu_sc as plsc

_NUM_DST = 10000
_DIM_NODE = 128
_DIM_EDGE = 16
_DIM_TIME = 100
_DIM_OUT = 128
_MW = 256
_EB = 2000
_CHUNK = 80
_NW = 32
_ROWS_PER_TILE = 632
_ACC_ROWS = 16 * _ROWS_PER_TILE


def _q_body(tgt_ref, tb_ref, wq1_ref, wq2_ref, wqb_ref, out_ref):
    zt = jnp.cos(tb_ref[...])
    const = jnp.dot(zt, wq2_ref[...],
                    preferred_element_type=jnp.float32) + wqb_ref[...]
    out_ref[...] = jnp.dot(tgt_ref[...], wq1_ref[...],
                           preferred_element_type=jnp.float32) + const


def _edge_body(src_ref, ef_ref, dt_ref, qe_ref, tw_ref, tb_ref,
               wks_ref, wke_ref, wkt_ref, wkb_ref,
               wvs_ref, wve_ref, wvt_ref, wvb_ref, m_ref):
    tf = jnp.cos(dt_ref[...] * tw_ref[...] + tb_ref[...])
    tf_bf = tf.astype(jnp.bfloat16)
    k = (jnp.dot(src_ref[...], wks_ref[...], preferred_element_type=jnp.float32)
         + jnp.dot(ef_ref[...], wke_ref[...], preferred_element_type=jnp.float32)
         + jnp.dot(tf_bf, wkt_ref[...], preferred_element_type=jnp.float32)
         + wkb_ref[...])
    v = (jnp.dot(src_ref[...], wvs_ref[...], preferred_element_type=jnp.float32)
         + jnp.dot(ef_ref[...], wve_ref[...], preferred_element_type=jnp.float32)
         + jnp.dot(tf_bf, wvt_ref[...], preferred_element_type=jnp.float32)
         + wvb_ref[...])
    qk = qe_ref[...] * k
    s0 = jnp.sum(qk[:, :64], axis=1, keepdims=True)
    s1 = jnp.sum(qk[:, 64:], axis=1, keepdims=True)
    w0 = jnp.exp(jnp.where(s0 > 0, s0, 0.2 * s0))
    w1 = jnp.exp(jnp.where(s1 > 0, s1, 0.2 * s1))
    b = s0.shape[0]
    m_ref[...] = jnp.concatenate(
        [v[:, :64] * w0, v[:, 64:] * w1,
         jnp.broadcast_to(w0, (b, 64)), jnp.broadcast_to(w1, (b, 64))], axis=1)


def _out_body(pv_ref, pw_ref, tgt_ref, wo1_ref, wo2_ref, wob_ref,
              lng_ref, lnb_ref, out_ref):
    pv = pv_ref[...]
    pw = pw_ref[...]
    d0 = pw[:, 0:1] + 1e-16
    d1 = pw[:, 64:65] + 1e-16
    dst_h = jnp.concatenate([pv[:, :64] / d0, pv[:, 64:128] / d1], axis=1)
    rst = (jnp.dot(dst_h, wo1_ref[...], preferred_element_type=jnp.float32)
           + jnp.dot(tgt_ref[...], wo2_ref[...], preferred_element_type=jnp.float32)
           + wob_ref[...])
    rst = jnp.maximum(rst, 0.0)
    mean = jnp.mean(rst, axis=1, keepdims=True)
    cen = rst - mean
    var = jnp.mean(cen * cen, axis=1, keepdims=True)
    out_ref[...] = cen * jax.lax.rsqrt(var + 1e-5) * lng_ref[...] + lnb_ref[...]


def _sc_mesh():
    return plsc.VectorSubcoreMesh(core_axis_name="c", subcore_axis_name="s")


def _make_gather(num_edges):
    epw = num_edges // _NW
    n_chunk = epw // _CHUNK

    @functools.partial(
        pl.kernel,
        out_type=jax.ShapeDtypeStruct((num_edges, _DIM_OUT), jnp.float32),
        mesh=_sc_mesh(),
        scratch_types=[
            pltpu.VMEM((_CHUNK,), jnp.int32),
            pltpu.VMEM((_CHUNK, _DIM_OUT), jnp.float32),
            pltpu.SemaphoreType.DMA,
        ],
    )
    def gather(q_hbm, dst_hbm, qe_hbm, idx_v, rows_v, sem):
        cid = lax.axis_index("c")
        sid = lax.axis_index("s")
        base = (sid * 2 + cid) * epw

        def step(i, carry):
            off = base + i * _CHUNK
            pltpu.sync_copy(dst_hbm.at[pl.ds(off, _CHUNK)], idx_v)
            pltpu.async_copy(q_hbm.at[idx_v], rows_v, sem).wait()
            pltpu.sync_copy(rows_v, qe_hbm.at[pl.ds(off, _CHUNK)])
            return carry

        lax.fori_loop(0, n_chunk, step, 0)

    return gather


def _make_scatter(num_edges):
    ept = num_edges // 16
    n_chunk = ept // _CHUNK

    @functools.partial(
        pl.kernel,
        out_type=jax.ShapeDtypeStruct((2 * _ACC_ROWS, 128), jnp.float32),
        mesh=_sc_mesh(),
        scratch_types=[
            pltpu.VMEM((_CHUNK,), jnp.int32),
            pltpu.VMEM((_CHUNK, 128), jnp.float32),
            pltpu.VMEM_SHARED((_ACC_ROWS, 128), jnp.float32),
        ],
    )
    def scatter(m_hbm, dst_hbm, zeros_hbm, out_hbm, idx_v, m_v, acc_sh):
        cid = lax.axis_index("c")
        sid = lax.axis_index("s")
        base = sid * ept
        col = cid * 128
        pltpu.sync_copy(zeros_hbm, acc_sh.at[pl.ds(sid * _ROWS_PER_TILE, _ROWS_PER_TILE)])
        plsc.subcore_barrier()

        def step(i, carry):
            off = base + i * _CHUNK
            pltpu.sync_copy(dst_hbm.at[pl.ds(off, _CHUNK)], idx_v)
            pltpu.sync_copy(m_hbm.at[pl.ds(off, _CHUNK), pl.ds(col, 128)], m_v)
            pltpu.sync_copy(m_v, acc_sh.at[idx_v], add=True)
            return carry

        lax.fori_loop(0, n_chunk, step, 0)
        plsc.subcore_barrier()
        pltpu.sync_copy(
            acc_sh.at[pl.ds(sid * _ROWS_PER_TILE, _ROWS_PER_TILE)],
            out_hbm.at[pl.ds(cid * _ACC_ROWS + sid * _ROWS_PER_TILE, _ROWS_PER_TILE)])

    return scatter


def kernel(h, edge_feats, delta_time, dst_idx, time_w, time_b,
           wq_w, wq_b, wk_w, wk_b, wv_w, wv_b, wo_w, wo_b, ln_g, ln_b):
    num_edges = edge_feats.shape[0]
    tgt = h[:_NUM_DST]
    src = h[_NUM_DST:].astype(jnp.bfloat16)
    ef_bf = edge_feats.astype(jnp.bfloat16)
    dt_col = delta_time.reshape(num_edges, 1)
    tw_row = time_w.reshape(1, _DIM_TIME)
    tb_row = time_b.reshape(1, _DIM_TIME)

    wq1 = wq_w[:, :_DIM_NODE].T
    wq2 = wq_w[:, _DIM_NODE:].T
    wks = wk_w[:, :_DIM_NODE].T.astype(jnp.bfloat16)
    wke = wk_w[:, _DIM_NODE:_DIM_NODE + _DIM_EDGE].T.astype(jnp.bfloat16)
    wkt = wk_w[:, _DIM_NODE + _DIM_EDGE:].T.astype(jnp.bfloat16)
    wvs = wv_w[:, :_DIM_NODE].T.astype(jnp.bfloat16)
    wve = wv_w[:, _DIM_NODE:_DIM_NODE + _DIM_EDGE].T.astype(jnp.bfloat16)
    wvt = wv_w[:, _DIM_NODE + _DIM_EDGE:].T.astype(jnp.bfloat16)
    wo1 = wo_w[:, :_DIM_OUT].T
    wo2 = wo_w[:, _DIM_OUT:].T
    wqb = wq_b.reshape(1, _DIM_OUT)
    wkb = wk_b.reshape(1, _DIM_OUT)
    wvb = wv_b.reshape(1, _DIM_OUT)
    wob = wo_b.reshape(1, _DIM_OUT)
    lng = ln_g.reshape(1, _DIM_OUT)
    lnb = ln_b.reshape(1, _DIM_OUT)

    q = pl.pallas_call(
        _q_body,
        out_shape=jax.ShapeDtypeStruct((_NUM_DST, _DIM_OUT), jnp.float32),
    )(tgt, tb_row, wq1, wq2, wqb)

    qe = _make_gather(num_edges)(q, dst_idx)

    nb = num_edges // _EB
    full = lambda shape: pl.BlockSpec(shape, lambda i: (0, 0))
    m = pl.pallas_call(
        _edge_body,
        grid=(nb,),
        in_specs=[
            pl.BlockSpec((_EB, _DIM_NODE), lambda i: (i, 0)),
            pl.BlockSpec((_EB, _DIM_EDGE), lambda i: (i, 0)),
            pl.BlockSpec((_EB, 1), lambda i: (i, 0)),
            pl.BlockSpec((_EB, _DIM_OUT), lambda i: (i, 0)),
            full((1, _DIM_TIME)), full((1, _DIM_TIME)),
            full((_DIM_NODE, _DIM_OUT)), full((_DIM_EDGE, _DIM_OUT)),
            full((_DIM_TIME, _DIM_OUT)), full((1, _DIM_OUT)),
            full((_DIM_NODE, _DIM_OUT)), full((_DIM_EDGE, _DIM_OUT)),
            full((_DIM_TIME, _DIM_OUT)), full((1, _DIM_OUT)),
        ],
        out_specs=pl.BlockSpec((_EB, _MW), lambda i: (i, 0)),
        out_shape=jax.ShapeDtypeStruct((num_edges, _MW), jnp.float32),
        compiler_params=pltpu.CompilerParams(
            dimension_semantics=("arbitrary",)),
    )(src, ef_bf, dt_col, qe, tw_row, tb_row,
      wks, wke, wkt, wkb, wvs, wve, wvt, wvb)

    zeros_tile = jnp.zeros((_ROWS_PER_TILE, 128), jnp.float32)
    partials = _make_scatter(num_edges)(m, dst_idx, zeros_tile)

    out = pl.pallas_call(
        _out_body,
        out_shape=jax.ShapeDtypeStruct((_NUM_DST, _DIM_OUT), jnp.float32),
    )(partials[:_NUM_DST], partials[_ACC_ROWS:_ACC_ROWS + _NUM_DST],
      tgt, wo1, wo2, wob, lng, lnb)
    return out

# --- scband reference (transcript-rebuilt; emitter-appended) ---
"""Pipeline reference for scband-transfomer-attention-layer-6064493822585 (READ-ONLY COPY).

The authoritative reference and input builder live on the scoring server;
editing this copy changes nothing except your own understanding.
"""

import jax, jax.numpy as jnp
import numpy as np

NUM_DST = 10000
NUM_EDGES = 320000
DIM_NODE = 128
DIM_EDGE = 16
DIM_TIME = 100
DIM_OUT = 128
NUM_HEAD = 2


def _time_enc(dt, time_w, time_b):
    # TimeEncode: cos(Linear(dt.reshape(-1,1)))
    return jnp.cos(dt.reshape(-1, 1) @ time_w.T + time_b)


def setup_inputs(seed: int = 0):
    key = jax.random.key(seed)
    ks = jax.random.split(key, 10)
    h = jax.random.normal(ks[0], (NUM_DST + NUM_EDGES, DIM_NODE), dtype=jnp.float32)
    edge_feats = jax.random.normal(ks[1], (NUM_EDGES, DIM_EDGE), dtype=jnp.float32)
    delta_time = jax.random.uniform(ks[2], (NUM_EDGES,), dtype=jnp.float32) * 1000.0
    dst_idx = jnp.sort(jax.random.randint(ks[3], (NUM_EDGES,), 0, NUM_DST, dtype=jnp.int32))
    # TimeEncode params (fixed init from the torch module)
    time_w = jnp.asarray((1.0 / 10 ** np.linspace(0, 9, DIM_TIME, dtype=np.float32)).reshape(DIM_TIME, 1))
    time_b = jnp.zeros((DIM_TIME,), dtype=jnp.float32)
    # Linear layers (weight stored torch-style: [out, in])
    wq_w = jax.random.normal(ks[4], (DIM_OUT, DIM_NODE + DIM_TIME), dtype=jnp.float32) * 0.05
    wq_b = jnp.zeros((DIM_OUT,), dtype=jnp.float32)
    wk_w = jax.random.normal(ks[5], (DIM_OUT, DIM_NODE + DIM_EDGE + DIM_TIME), dtype=jnp.float32) * 0.05
    wk_b = jnp.zeros((DIM_OUT,), dtype=jnp.float32)
    wv_w = jax.random.normal(ks[6], (DIM_OUT, DIM_NODE + DIM_EDGE + DIM_TIME), dtype=jnp.float32) * 0.05
    wv_b = jnp.zeros((DIM_OUT,), dtype=jnp.float32)
    wo_w = jax.random.normal(ks[7], (DIM_OUT, DIM_NODE + DIM_OUT), dtype=jnp.float32) * 0.05
    wo_b = jnp.zeros((DIM_OUT,), dtype=jnp.float32)
    ln_g = jnp.ones((DIM_OUT,), dtype=jnp.float32)
    ln_b = jnp.zeros((DIM_OUT,), dtype=jnp.float32)
    return {
        'h': h, 'edge_feats': edge_feats, 'delta_time': delta_time, 'dst_idx': dst_idx,
        'time_w': time_w, 'time_b': time_b,
        'wq_w': wq_w, 'wq_b': wq_b, 'wk_w': wk_w, 'wk_b': wk_b,
        'wv_w': wv_w, 'wv_b': wv_b, 'wo_w': wo_w, 'wo_b': wo_b,
        'ln_g': ln_g, 'ln_b': ln_b,
    }


def reference(h, edge_feats, delta_time, dst_idx, time_w, time_b,
              wq_w, wq_b, wk_w, wk_b, wv_w, wv_b, wo_w, wo_b, ln_g, ln_b):
    num_dst = NUM_DST
    E = edge_feats.shape[0]
    tgt = h[:num_dst]                 # target (dst) node embeddings
    src = h[num_dst:]                 # one source node per sampled edge (TGL mfg layout)
    time_feats = _time_enc(delta_time, time_w, time_b)
    zero_time = _time_enc(jnp.zeros((num_dst,), jnp.float32), time_w, time_b)
    Q = jnp.concatenate([tgt, zero_time], axis=1) @ wq_w.T + wq_b
    KV_in = jnp.concatenate([src, edge_feats, time_feats], axis=1)
    K = KV_in @ wk_w.T + wk_b
    V = KV_in @ wv_w.T + wv_b
    Qe = jnp.take(Q, dst_idx, axis=0).reshape(E, NUM_HEAD, -1)
    K = K.reshape(E, NUM_HEAD, -1)
    V = V.reshape(E, NUM_HEAD, -1)
    scores = jnp.sum(Qe * K, axis=2)
    scores = jax.nn.leaky_relu(scores, negative_slope=0.2)
    # dgl.ops.edge_softmax: softmax over incoming edges of each dst node
    smax = jax.ops.segment_max(scores, dst_idx, num_segments=num_dst)
    smax = jnp.where(jnp.isfinite(smax), smax, 0.0)
    smax = jax.lax.stop_gradient(smax)
    ex = jnp.exp(scores - smax[dst_idx])
    denom = jax.ops.segment_sum(ex, dst_idx, num_segments=num_dst)
    att = ex / (denom[dst_idx] + 1e-16)
    Vw = (V * att[:, :, None]).reshape(E, -1)
    # update_all(copy_src, sum): scatter-add edge messages onto dst nodes
    dst_h = jax.ops.segment_sum(Vw, dst_idx, num_segments=num_dst)
    rst = jnp.concatenate([dst_h, tgt], axis=1) @ wo_w.T + wo_b
    rst = jax.nn.relu(rst)  # dropout p=0 -> identity
    mean = jnp.mean(rst, axis=-1, keepdims=True)
    var = jnp.var(rst, axis=-1, keepdims=True)
    out = (rst - mean) / jnp.sqrt(var + 1e-5) * ln_g + ln_b
    return out

if __name__ == "__main__":
    import jax
    _d = setup_inputs()
    print(jax.jit(kernel)(*tuple(_d.values())))

</pallas_src>

<mosaic_0001>
#map = affine_map<(d0, d1) -> (0, 0)>
#map1 = affine_map<(d0, d1) -> (0)>
module attributes {stable_mosaic.version = 14 : i64} {
  func.func @gather(%arg0: i32, %arg1: i32, %arg2: memref<10000x128xf32, #tpu.memory_space<hbm>>, %arg3: memref<320000xi32, #tpu.memory_space<hbm>>, %arg4: memref<320000x128xf32, #tpu.memory_space<hbm>>, %arg5: memref<80xi32, #tpu.memory_space<vmem>>, %arg6: memref<80x128xf32, #tpu.memory_space<vmem>>, %arg7: memref<!tpu.dma_semaphore, #tpu.memory_space<semaphore_mem>>) attributes {dimension_semantics = [#tpu.dimension_semantics<core_parallel>, #tpu.dimension_semantics<subcore_parallel>], iteration_bounds = array<i64: 2, 16>, scalar_prefetch = 0 : i64, scratch_operands = 3 : i64, tpu.core_type = #tpu.core_type<sc_vector_subcore>, window_params = [{transform_indices = #map}, {transform_indices = #map1}, {transform_indices = #map}]} {
    %mul3A = arith.constant 2 : i32
    %mul3A_0 = arith.muli %arg1, %mul3A : i32
    %add3A = arith.addi %mul3A_0, %arg0 : i32
    %mul3A_1 = arith.constant 10000 : i32
    %mul3A_2 = arith.muli %add3A, %mul3A_1 : i32
    %scan3A = arith.constant 0 : i32
    %scan3A_3 = arith.constant 0 : i32
    %scan3A_4 = arith.constant 125 : i32
    %scan3A_5 = arith.addi %scan3A_3, %scan3A_4 : i32
    %scan3A_6 = arith.constant 1 : i32
    scf.for %scan3A_8 = %scan3A_3 to %scan3A_5 step %scan3A_6  : i32 {
      %mul3A_9 = arith.constant 80 : i32
      %mul3A_10 = arith.muli %scan3A_8, %mul3A_9 : i32
      %add3A_11 = arith.addi %mul3A_2, %mul3A_10 : i32
      "tpu.region"() ({
        %run_scoped3A = tpu.sem_alloc : memref<!tpu.dma_semaphore, #tpu.memory_space<semaphore_mem>>
        %dma_start3A_16 = tpu.memref_slice %arg3[%add3A_11] : memref<320000xi32, #tpu.memory_space<hbm>> -> memref<80xi32, #tpu.memory_space<hbm>>
        %dma_start3A_17 = tpu.memref_slice %arg3[%add3A_11] : memref<320000xi32, #tpu.memory_space<hbm>> -> memref<80xi32, #tpu.memory_space<hbm>>
        tpu.enqueue_dma source(%dma_start3A_17 : memref<80xi32, #tpu.memory_space<hbm>>) target(%arg5 : memref<80xi32, #tpu.memory_space<vmem>>) target_semaphore(%run_scoped3A : memref<!tpu.dma_semaphore, #tpu.memory_space<semaphore_mem>>)
        %dma_wait3A_18 = tpu.memref_slice %arg3[%add3A_11] : memref<320000xi32, #tpu.memory_space<hbm>> -> memref<80xi32, #tpu.memory_space<hbm>>
        %dma_wait3A_19 = tpu.memref_slice %arg3[%add3A_11] : memref<320000xi32, #tpu.memory_space<hbm>> -> memref<80xi32, #tpu.memory_space<hbm>>
        tpu.wait_dma2 semaphore(%run_scoped3A : memref<!tpu.dma_semaphore, #tpu.memory_space<semaphore_mem>>) src(%dma_wait3A_19 : memref<80xi32, #tpu.memory_space<hbm>>) dst(%arg5 : memref<80xi32, #tpu.memory_space<vmem>>)
        tpu.yield
      }) : () -> ()
      %dma_start3A = arith.constant 0 : i32
      %dma_start3A_12 = arith.constant 0 : i32
      %dma_start3A_13 = tpu.memref_slice %arg2[%dma_start3A, %dma_start3A_12] : memref<10000x128xf32, #tpu.memory_space<hbm>> -> memref<10000x128xf32, #tpu.memory_space<hbm>>
      tpu.enqueue_indirect_dma source(%dma_start3A_13 : memref<10000x128xf32, #tpu.memory_space<hbm>>) target(%arg6 : memref<80x128xf32, #tpu.memory_space<vmem>>) offsets(%arg5 : memref<80xi32, #tpu.memory_space<vmem>>) semaphore(%arg7 : memref<!tpu.dma_semaphore, #tpu.memory_space<semaphore_mem>>)
      %dma_wait3A = arith.constant 0 : i32
      %dma_wait3A_14 = arith.constant 0 : i32
      %dma_wait3A_15 = tpu.memref_slice %arg2[%dma_wait3A, %dma_wait3A_14] : memref<10000x128xf32, #tpu.memory_space<hbm>> -> memref<10000x128xf32, #tpu.memory_space<hbm>>
      tpu.wait_indirect_dma semaphore(%arg7 : memref<!tpu.dma_semaphore, #tpu.memory_space<semaphore_mem>>) src(%dma_wait3A_15 : memref<10000x128xf32, #tpu.memory_space<hbm>>) dst(%arg6 : memref<80x128xf32, #tpu.memory_space<vmem>>)
      "tpu.region"() ({
        %run_scoped3A = tpu.sem_alloc : memref<!tpu.dma_semaphore, #tpu.memory_space<semaphore_mem>>
        %dma_start3A_16 = arith.constant 0 : i32
        %dma_start3A_17 = tpu.memref_slice %arg4[%add3A_11, %dma_start3A_16] : memref<320000x128xf32, #tpu.memory_space<hbm>> -> memref<80x128xf32, #tpu.memory_space<hbm>>
        %dma_start3A_18 = arith.constant 0 : i32
        %dma_start3A_19 = tpu.memref_slice %arg4[%add3A_11, %dma_start3A_18] : memref<320000x128xf32, #tpu.memory_space<hbm>> -> memref<80x128xf32, #tpu.memory_space<hbm>>
        tpu.enqueue_dma source(%arg6 : memref<80x128xf32, #tpu.memory_space<vmem>>) target(%dma_start3A_19 : memref<80x128xf32, #tpu.memory_space<hbm>>) target_semaphore(%run_scoped3A : memref<!tpu.dma_semaphore, #tpu.memory_space<semaphore_mem>>)
        %dma_wait3A_20 = arith.constant 0 : i32
        %dma_wait3A_21 = tpu.memref_slice %arg4[%add3A_11, %dma_wait3A_20] : memref<320000x128xf32, #tpu.memory_space<hbm>> -> memref<80x128xf32, #tpu.memory_space<hbm>>
        %dma_wait3A_22 = arith.constant 0 : i32
        %dma_wait3A_23 = tpu.memref_slice %arg4[%add3A_11, %dma_wait3A_22] : memref<320000x128xf32, #tpu.memory_space<hbm>> -> memref<80x128xf32, #tpu.memory_space<hbm>>
        tpu.wait_dma2 semaphore(%run_scoped3A : memref<!tpu.dma_semaphore, #tpu.memory_space<semaphore_mem>>) src(%arg6 : memref<80x128xf32, #tpu.memory_space<vmem>>) dst(%dma_wait3A_23 : memref<80x128xf32, #tpu.memory_space<hbm>>)
        tpu.yield
      }) : () -> ()
    }
    %scan3A_7 = arith.constant 125 : i32
    return
  }
}

#map = affine_map<(d0, d1) -> (0, 0)>
#map1 = affine_map<(d0, d1) -> (0)>
module attributes {stable_mosaic.version = 14 : i64} {
  func.func @scatter(%arg0: i32, %arg1: i32, %arg2: memref<320000x256xf32, #tpu.memory_space<hbm>>, %arg3: memref<320000xi32, #tpu.memory_space<hbm>>, %arg4: memref<632x128xf32, #tpu.memory_space<hbm>>, %arg5: memref<20224x128xf32, #tpu.memory_space<hbm>>, %arg6: memref<80xi32, #tpu.memory_space<vmem>>, %arg7: memref<80x128xf32, #tpu.memory_space<vmem>>, %arg8: memref<10112x128xf32, #tpu.memory_space<vmem_shared>>) attributes {dimension_semantics = [#tpu.dimension_semantics<core_parallel>, #tpu.dimension_semantics<subcore_parallel>], iteration_bounds = array<i64: 2, 16>, scalar_prefetch = 0 : i64, scratch_operands = 3 : i64, tpu.core_type = #tpu.core_type<sc_vector_subcore>, window_params = [{transform_indices = #map}, {transform_indices = #map1}, {transform_indices = #map}, {transform_indices = #map}]} {
    %mul3A = arith.constant 20000 : i32
    %mul3A_0 = arith.muli %arg1, %mul3A : i32
    %mul3A_1 = arith.constant 128 : i32
    %mul3A_2 = arith.muli %arg0, %mul3A_1 : i32
    %mul3A_3 = arith.constant 632 : i32
    %mul3A_4 = arith.muli %arg1, %mul3A_3 : i32
    "tpu.region"() ({
      %run_scoped3A = tpu.sem_alloc : memref<!tpu.dma_semaphore, #tpu.memory_space<semaphore_mem>>
      %dma_start3A = arith.constant 0 : i32
      %dma_start3A_17 = tpu.memref_slice %arg8[%mul3A_4, %dma_start3A] : memref<10112x128xf32, #tpu.memory_space<vmem_shared>> -> memref<632x128xf32, #tpu.memory_space<vmem_shared>>
      tpu.enqueue_dma source(%arg4 : memref<632x128xf32, #tpu.memory_space<hbm>>) target(%dma_start3A_17 : memref<632x128xf32, #tpu.memory_space<vmem_shared>>) target_semaphore(%run_scoped3A : memref<!tpu.dma_semaphore, #tpu.memory_space<semaphore_mem>>)
      %dma_wait3A = arith.constant 0 : i32
      %dma_wait3A_18 = tpu.memref_slice %arg8[%mul3A_4, %dma_wait3A] : memref<10112x128xf32, #tpu.memory_space<vmem_shared>> -> memref<632x128xf32, #tpu.memory_space<vmem_shared>>
      tpu.wait_dma2 semaphore(%run_scoped3A : memref<!tpu.dma_semaphore, #tpu.memory_space<semaphore_mem>>) src(%arg4 : memref<632x128xf32, #tpu.memory_space<hbm>>) dst(%dma_wait3A_18 : memref<632x128xf32, #tpu.memory_space<vmem_shared>>)
      tpu.yield
    }) : () -> ()
    %barrier3A = arith.constant 0 : index
    tpu.barrier barrier_id(%barrier3A)
    %scan3A = arith.constant 0 : i32
    %scan3A_5 = arith.constant 0 : i32
    %scan3A_6 = arith.constant 250 : i32
    %scan3A_7 = arith.addi %scan3A_5, %scan3A_6 : i32
    %scan3A_8 = arith.constant 1 : i32
    scf.for %scan3A_17 = %scan3A_5 to %scan3A_7 step %scan3A_8  : i32 {
      %mul3A_18 = arith.constant 80 : i32
      %mul3A_19 = arith.muli %scan3A_17, %mul3A_18 : i32
      %add3A_20 = arith.addi %mul3A_0, %mul3A_19 : i32
      "tpu.region"() ({
        %run_scoped3A = tpu.sem_alloc : memref<!tpu.dma_semaphore, #tpu.memory_space<semaphore_mem>>
        %dma_start3A = tpu.memref_slice %arg3[%add3A_20] : memref<320000xi32, #tpu.memory_space<hbm>> -> memref<80xi32, #tpu.memory_space<hbm>>
        %dma_start3A_21 = tpu.memref_slice %arg3[%add3A_20] : memref<320000xi32, #tpu.memory_space<hbm>> -> memref<80xi32, #tpu.memory_space<hbm>>
        tpu.enqueue_dma source(%dma_start3A_21 : memref<80xi32, #tpu.memory_space<hbm>>) target(%arg6 : memref<80xi32, #tpu.memory_space<vmem>>) target_semaphore(%run_scoped3A : memref<!tpu.dma_semaphore, #tpu.memory_space<semaphore_mem>>)
        %dma_wait3A = tpu.memref_slice %arg3[%add3A_20] : memref<320000xi32, #tpu.memory_space<hbm>> -> memref<80xi32, #tpu.memory_space<hbm>>
        %dma_wait3A_22 = tpu.memref_slice %arg3[%add3A_20] : memref<320000xi32, #tpu.memory_space<hbm>> -> memref<80xi32, #tpu.memory_space<hbm>>
        tpu.wait_dma2 semaphore(%run_scoped3A : memref<!tpu.dma_semaphore, #tpu.memory_space<semaphore_mem>>) src(%dma_wait3A_22 : memref<80xi32, #tpu.memory_space<hbm>>) dst(%arg6 : memref<80xi32, #tpu.memory_space<vmem>>)
        tpu.yield
      }) : () -> ()
      "tpu.region"() ({
        %run_scoped3A = tpu.sem_alloc : memref<!tpu.dma_semaphore, #tpu.memory_space<semaphore_mem>>
        %dma_start3A = tpu.memref_slice %arg2[%add3A_20, %mul3A_2] : memref<320000x256xf32, #tpu.memory_space<hbm>> -> memref<80x128xf32, #tpu.memory_space<hbm>>
        %dma_start3A_21 = tpu.memref_slice %arg2[%add3A_20, %mul3A_2] : memref<320000x256xf32, #tpu.memory_space<hbm>> -> memref<80x128xf32, #tpu.memory_space<hbm>>
        tpu.enqueue_dma source(%dma_start3A_21 : memref<80x128xf32, #tpu.memory_space<hbm>>) target(%arg7 : memref<80x128xf32, #tpu.memory_space<vmem>>) target_semaphore(%run_scoped3A : memref<!tpu.dma_semaphore, #tpu.memory_space<semaphore_mem>>)
        %dma_wait3A = tpu.memref_slice %arg2[%add3A_20, %mul3A_2] : memref<320000x256xf32, #tpu.memory_space<hbm>> -> memref<80x128xf32, #tpu.memory_space<hbm>>
        %dma_wait3A_22 = tpu.memref_slice %arg2[%add3A_20, %mul3A_2] : memref<320000x256xf32, #tpu.memory_space<hbm>> -> memref<80x128xf32, #tpu.memory_space<hbm>>
        tpu.wait_dma2 semaphore(%run_scoped3A : memref<!tpu.dma_semaphore, #tpu.memory_space<semaphore_mem>>) src(%dma_wait3A_22 : memref<80x128xf32, #tpu.memory_space<hbm>>) dst(%arg7 : memref<80x128xf32, #tpu.memory_space<vmem>>)
        tpu.yield
      }) : () -> ()
      "tpu.region"() ({
        %run_scoped3A = tpu.sem_alloc : memref<!tpu.dma_semaphore, #tpu.memory_space<semaphore_mem>>
        %dma_start3A = arith.constant 0 : i32
        %dma_start3A_21 = arith.constant 0 : i32
        %dma_start3A_22 = tpu.memref_slice %arg8[%dma_start3A, %dma_start3A_21] : memref<10112x128xf32, #tpu.memory_space<vmem_shared>> -> memref<10112x128xf32, #tpu.memory_space<vmem_shared>>
        tpu.enqueue_indirect_dma source(%arg7 : memref<80x128xf32, #tpu.memory_space<vmem>>) target(%dma_start3A_22 : memref<10112x128xf32, #tpu.memory_space<vmem_shared>>) offsets(%arg6 : memref<80xi32, #tpu.memory_space<vmem>>) semaphore(%run_scoped3A : memref<!tpu.dma_semaphore, #tpu.memory_space<semaphore_mem>>) {add = true}
        %dma_wait3A = arith.constant 0 : i32
        %dma_wait3A_23 = arith.constant 0 : i32
        %dma_wait3A_24 = tpu.memref_slice %arg8[%dma_wait3A, %dma_wait3A_23] : memref<10112x128xf32, #tpu.memory_space<vmem_shared>> -> memref<10112x128xf32, #tpu.memory_space<vmem_shared>>
        tpu.wait_indirect_dma semaphore(%run_scoped3A : memref<!tpu.dma_semaphore, #tpu.memory_space<semaphore_mem>>) src(%arg7 : memref<80x128xf32, #tpu.memory_space<vmem>>) dst(%dma_wait3A_24 : memref<10112x128xf32, #tpu.memory_space<vmem_shared>>)
        tpu.yield
      }) : () -> ()
    }
    %scan3A_9 = arith.constant 250 : i32
    %barrier3A_10 = arith.constant 0 : index
    tpu.barrier barrier_id(%barrier3A_10)
    %mul3A_11 = arith.constant 632 : i32
    %mul3A_12 = arith.muli %arg1, %mul3A_11 : i32
    %mul3A_13 = arith.constant 10112 : i32
    %mul3A_14 = arith.muli %arg0, %mul3A_13 : i32
    %mul3A_15 = arith.constant 632 : i32
    %mul3A_16 = arith.muli %arg1, %mul3A_15 : i32
    %add3A = arith.addi %mul3A_14, %mul3A_16 : i32
    "tpu.region"() ({
      %run_scoped3A = tpu.sem_alloc : memref<!tpu.dma_semaphore, #tpu.memory_space<semaphore_mem>>
      %dma_start3A = arith.constant 0 : i32
      %dma_start3A_17 = tpu.memref_slice %arg5[%add3A, %dma_start3A] : memref<20224x128xf32, #tpu.memory_space<hbm>> -> memref<632x128xf32, #tpu.memory_space<hbm>>
      %dma_start3A_18 = arith.constant 0 : i32
      %dma_start3A_19 = tpu.memref_slice %arg8[%mul3A_12, %dma_start3A_18] : memref<10112x128xf32, #tpu.memory_space<vmem_shared>> -> memref<632x128xf32, #tpu.memory_space<vmem_shared>>
      tpu.enqueue_dma source(%dma_start3A_19 : memref<632x128xf32, #tpu.memory_space<vmem_shared>>) target(%dma_start3A_17 : memref<632x128xf32, #tpu.memory_space<hbm>>) target_semaphore(%run_scoped3A : memref<!tpu.dma_semaphore, #tpu.memory_space<semaphore_mem>>)
      %dma_wait3A = arith.constant 0 : i32
      %dma_wait3A_20 = tpu.memref_slice %arg5[%add3A, %dma_wait3A] : memref<20224x128xf32, #tpu.memory_space<hbm>> -> memref<632x128xf32, #tpu.memory_space<hbm>>
      %dma_wait3A_21 = arith.constant 0 : i32
      %dma_wait3A_22 = tpu.memref_slice %arg8[%mul3A_12, %dma_wait3A_21] : memref<10112x128xf32, #tpu.memory_space<vmem_shared>> -> memref<632x128xf32, #tpu.memory_space<vmem_shared>>
      tpu.wait_dma2 semaphore(%run_scoped3A : memref<!tpu.dma_semaphore, #tpu.memory_space<semaphore_mem>>) src(%dma_wait3A_22 : memref<632x128xf32, #tpu.memory_space<vmem_shared>>) dst(%dma_wait3A_20 : memref<632x128xf32, #tpu.memory_space<hbm>>)
      tpu.yield
    }) : () -> ()
    return
  }
}

module attributes {stable_mosaic.version = 14 : i64} {
  func.func @_q_body(%arg0: memref<10000x128xf32, #tpu.memory_space<vmem>>, %arg1: memref<1x100xf32, #tpu.memory_space<vmem>>, %arg2: memref<128x128xf32, #tpu.memory_space<vmem>>, %arg3: memref<100x128xf32, #tpu.memory_space<vmem>>, %arg4: memref<1x128xf32, #tpu.memory_space<vmem>>, %arg5: memref<10000x128xf32, #tpu.memory_space<vmem>>) attributes {dimension_semantics = [], scalar_prefetch = 0 : i64, scratch_operands = 0 : i64, tpu.core_type = #tpu.core_type<tc>} {
    %get3A = arith.constant 0 : index
    %get3A_0 = arith.constant 0 : index
    %get3A_1 = vector.load %arg1[%get3A, %get3A_0] : memref<1x100xf32, #tpu.memory_space<vmem>>, vector<1x100xf32>
    %cos3A = math.cos %get3A_1 : vector<1x100xf32>
    %get3A_2 = arith.constant 0 : index
    %get3A_3 = arith.constant 0 : index
    %get3A_4 = vector.load %arg3[%get3A_2, %get3A_3] : memref<100x128xf32, #tpu.memory_space<vmem>>, vector<100x128xf32>
    %dot_general3A = arith.constant dense<0.000000e+00> : vector<1x128xf32>
    %dot_general3A_5 = tpu.matmul %cos3A, %get3A_4, %dot_general3A {dimension_numbers = #tpu.dot_dimension_numbers<[1], [0], [0], [1], [0, 0, 1, 1], [], []>, transpose_lhs_hint = false} : vector<1x100xf32>, vector<100x128xf32>, vector<1x128xf32> -> vector<1x128xf32>
    %get3A_6 = arith.constant 0 : index
    %get3A_7 = arith.constant 0 : index
    %get3A_8 = vector.load %arg4[%get3A_6, %get3A_7] : memref<1x128xf32, #tpu.memory_space<vmem>>, vector<1x128xf32>
    %add3A = arith.addf %dot_general3A_5, %get3A_8 : vector<1x128xf32>
    %get3A_9 = arith.constant 0 : index
    %get3A_10 = arith.constant 0 : index
    %get3A_11 = vector.load %arg0[%get3A_9, %get3A_10] : memref<10000x128xf32, #tpu.memory_space<vmem>>, vector<10000x128xf32>
    %get3A_12 = arith.constant 0 : index
    %get3A_13 = arith.constant 0 : index
    %get3A_14 = vector.load %arg2[%get3A_12, %get3A_13] : memref<128x128xf32, #tpu.memory_space<vmem>>, vector<128x128xf32>
    %dot_general3A_15 = arith.constant dense<0.000000e+00> : vector<10000x128xf32>
    %dot_general3A_16 = tpu.matmul %get3A_11, %get3A_14, %dot_general3A_15 {dimension_numbers = #tpu.dot_dimension_numbers<[1], [0], [0], [1], [0, 0, 1, 1], [], []>, transpose_lhs_hint = false} : vector<10000x128xf32>, vector<128x128xf32>, vector<10000x128xf32> -> vector<10000x128xf32>
    %add3A_17 = vector.broadcast %add3A : vector<1x128xf32> to vector<10000x128xf32>
    %add3A_18 = arith.addf %dot_general3A_16, %add3A_17 : vector<10000x128xf32>
    %swap3A = arith.constant 0 : index
    %swap3A_19 = arith.constant 0 : index
    %swap3A_20 = vector.load %arg5[%swap3A, %swap3A_19] : memref<10000x128xf32, #tpu.memory_space<vmem>>, vector<10000x128xf32>
    tpu.vector_store %arg5[%swap3A, %swap3A_19], %add3A_18 {strides = array<i32>} : memref<10000x128xf32, #tpu.memory_space<vmem>>, vector<10000x128xf32>,
    return
  }
}

module attributes {stable_mosaic.version = 14 : i64} {
  func.func @_edge_body(%arg0: i32, %arg1: memref<2000x128xbf16, #tpu.memory_space<vmem>>, %arg2: memref<2000x16xbf16, #tpu.memory_space<vmem>>, %arg3: memref<2000x1xf32, #tpu.memory_space<vmem>>, %arg4: memref<2000x128xf32, #tpu.memory_space<vmem>>, %arg5: memref<1x100xf32, #tpu.memory_space<vmem>>, %arg6: memref<1x100xf32, #tpu.memory_space<vmem>>, %arg7: memref<128x128xbf16, #tpu.memory_space<vmem>>, %arg8: memref<16x128xbf16, #tpu.memory_space<vmem>>, %arg9: memref<100x128xbf16, #tpu.memory_space<vmem>>, %arg10: memref<1x128xf32, #tpu.memory_space<vmem>>, %arg11: memref<128x128xbf16, #tpu.memory_space<vmem>>, %arg12: memref<16x128xbf16, #tpu.memory_space<vmem>>, %arg13: memref<100x128xbf16, #tpu.memory_space<vmem>>, %arg14: memref<1x128xf32, #tpu.memory_space<vmem>>, %arg15: memref<2000x256xf32, #tpu.memory_space<vmem>>) attributes {dimension_semantics = [#tpu.dimension_semantics<arbitrary>], iteration_bounds = array<i64: 160>, scalar_prefetch = 0 : i64, scratch_operands = 0 : i64, tpu.core_type = #tpu.core_type<tc>, window_params = [{transform_indices = @transform_0, window_bounds = array<i64: 2000, 128>}, {transform_indices = @transform_1, window_bounds = array<i64: 2000, 16>}, {transform_indices = @transform_2, window_bounds = array<i64: 2000, 1>}, {transform_indices = @transform_3, window_bounds = array<i64: 2000, 128>}, {pipeline_mode = #tpu.pipeline_mode<synchronous>, transform_indices = @transform_4, window_bounds = array<i64: 1, 100>}, {pipeline_mode = #tpu.pipeline_mode<synchronous>, transform_indices = @transform_5, window_bounds = array<i64: 1, 100>}, {pipeline_mode = #tpu.pipeline_mode<synchronous>, transform_indices = @transform_6, window_bounds = array<i64: 128, 128>}, {pipeline_mode = #tpu.pipeline_mode<synchronous>, transform_indices = @transform_7, window_bounds = array<i64: 16, 128>}, {pipeline_mode = #tpu.pipeline_mode<synchronous>, transform_indices = @transform_8, window_bounds = array<i64: 100, 128>}, {pipeline_mode = #tpu.pipeline_mode<synchronous>, transform_indices = @transform_9, window_bounds = array<i64: 1, 128>}, {pipeline_mode = #tpu.pipeline_mode<synchronous>, transform_indices = @transform_10, window_bounds = array<i64: 128, 128>}, {pipeline_mode = #tpu.pipeline_mode<synchronous>, transform_indices = @transform_11, window_bounds = array<i64: 16, 128>}, {pipeline_mode = #tpu.pipeline_mode<synchronous>, transform_indices = @transform_12, window_bounds = array<i64: 100, 128>}, {pipeline_mode = #tpu.pipeline_mode<synchronous>, transform_indices = @transform_13, window_bounds = array<i64: 1, 128>}, {transform_indices = @transform_14, window_bounds = array<i64: 2000, 256>}]} {
    %get3A = arith.constant 0 : index
    %get3A_0 = arith.constant 0 : index
    %get3A_1 = vector.load %arg3[%get3A, %get3A_0] : memref<2000x1xf32, #tpu.memory_space<vmem>>, vector<2000x1xf32>
    %get3A_2 = arith.constant 0 : index
    %get3A_3 = arith.constant 0 : index
    %get3A_4 = vector.load %arg5[%get3A_2, %get3A_3] : memref<1x100xf32, #tpu.memory_space<vmem>>, vector<1x100xf32>
    %mul3A = vector.broadcast %get3A_1 : vector<2000x1xf32> to vector<2000x100xf32>
    %mul3A_5 = vector.broadcast %get3A_4 : vector<1x100xf32> to vector<2000x100xf32>
    %mul3A_6 = arith.mulf %mul3A, %mul3A_5 : vector<2000x100xf32>
    %get3A_7 = arith.constant 0 : index
    %get3A_8 = arith.constant 0 : index
    %get3A_9 = vector.load %arg6[%get3A_7, %get3A_8] : memref<1x100xf32, #tpu.memory_space<vmem>>, vector<1x100xf32>
    %add3A = vector.broadcast %get3A_9 : vector<1x100xf32> to vector<2000x100xf32>
    %add3A_10 = arith.addf %mul3A_6, %add3A : vector<2000x100xf32>
    %cos3A = math.cos %add3A_10 : vector<2000x100xf32>
    %convert_element_type3A = arith.truncf %cos3A : vector<2000x100xf32> to vector<2000x100xbf16>
    %get3A_11 = arith.constant 0 : index
    %get3A_12 = arith.constant 0 : index
    %get3A_13 = vector.load %arg1[%get3A_11, %get3A_12] : memref<2000x128xbf16, #tpu.memory_space<vmem>>, vector<2000x128xbf16>
    %get3A_14 = arith.constant 0 : index
    %get3A_15 = arith.constant 0 : index
    %get3A_16 = vector.load %arg7[%get3A_14, %get3A_15] : memref<128x128xbf16, #tpu.memory_space<vmem>>, vector<128x128xbf16>
    %dot_general3A = arith.constant dense<0.000000e+00> : vector<2000x128xf32>
    %dot_general3A_17 = tpu.matmul %get3A_13, %get3A_16, %dot_general3A {dimension_numbers = #tpu.dot_dimension_numbers<[1], [0], [0], [1], [0, 0, 1, 1], [], []>, transpose_lhs_hint = false} : vector<2000x128xbf16>, vector<128x128xbf16>, vector<2000x128xf32> -> vector<2000x128xf32>
    %get3A_18 = arith.constant 0 : index
    %get3A_19 = arith.constant 0 : index
    %get3A_20 = vector.load %arg2[%get3A_18, %get3A_19] : memref<2000x16xbf16, #tpu.memory_space<vmem>>, vector<2000x16xbf16>
    %get3A_21 = arith.constant 0 : index
    %get3A_22 = arith.constant 0 : index
    %get3A_23 = vector.load %arg8[%get3A_21, %get3A_22] : memref<16x128xbf16, #tpu.memory_space<vmem>>, vector<16x128xbf16>
    %dot_general3A_24 = arith.constant dense<0.000000e+00> : vector<2000x128xf32>
    %dot_general3A_25 = tpu.matmul %get3A_20, %get3A_23, %dot_general3A_24 {dimension_numbers = #tpu.dot_dimension_numbers<[1], [0], [0], [1], [0, 0, 1, 1], [], []>, transpose_lhs_hint = false} : vector<2000x16xbf16>, vector<16x128xbf16>, vector<2000x128xf32> -> vector<2000x128xf32>
    %add3A_26 = arith.addf %dot_general3A_17, %dot_general3A_25 : vector<2000x128xf32>
    %get3A_27 = arith.constant 0 : index
    %get3A_28 = arith.constant 0 : index
    %get3A_29 = vector.load %arg9[%get3A_27, %get3A_28] : memref<100x128xbf16, #tpu.memory_space<vmem>>, vector<100x128xbf16>
    %dot_general3A_30 = arith.constant dense<0.000000e+00> : vector<2000x128xf32>
    %dot_general3A_31 = tpu.matmul %convert_element_type3A, %get3A_29, %dot_general3A_30 {dimension_numbers = #tpu.dot_dimension_numbers<[1], [0], [0], [1], [0, 0, 1, 1], [], []>, transpose_lhs_hint = false} : vector<2000x100xbf16>, vector<100x128xbf16>, vector<2000x128xf32> -> vector<2000x128xf32>
    %add3A_32 = arith.addf %add3A_26, %dot_general3A_31 : vector<2000x128xf32>
    %get3A_33 = arith.constant 0 : index
    %get3A_34 = arith.constant 0 : index
    %get3A_35 = vector.load %arg10[%get3A_33, %get3A_34] : memref<1x128xf32, #tpu.memory_space<vmem>>, vector<1x128xf32>
    %add3A_36 = vector.broadcast %get3A_35 : vector<1x128xf32> to vector<2000x128xf32>
    %add3A_37 = arith.addf %add3A_32, %add3A_36 : vector<2000x128xf32>
    %get3A_38 = arith.constant 0 : index
    %get3A_39 = arith.constant 0 : index
    %get3A_40 = vector.load %arg1[%get3A_38, %get3A_39] : memref<2000x128xbf16, #tpu.memory_space<vmem>>, vector<2000x128xbf16>
    %get3A_41 = arith.constant 0 : index
    %get3A_42 = arith.constant 0 : index
    %get3A_43 = vector.load %arg11[%get3A_41, %get3A_42] : memref<128x128xbf16, #tpu.memory_space<vmem>>, vector<128x128xbf16>
    %dot_general3A_44 = arith.constant dense<0.000000e+00> : vector<2000x128xf32>
    %dot_general3A_45 = tpu.matmul %get3A_40, %get3A_43, %dot_general3A_44 {dimension_numbers = #tpu.dot_dimension_numbers<[1], [0], [0], [1], [0, 0, 1, 1], [], []>, transpose_lhs_hint = false} : vector<2000x128xbf16>, vector<128x128xbf16>, vector<2000x128xf32> -> vector<2000x128xf32>
    %get3A_46 = arith.constant 0 : index
    %get3A_47 = arith.constant 0 : index
    %get3A_48 = vector.load %arg2[%get3A_46, %get3A_47] : memref<2000x16xbf16, #tpu.memory_space<vmem>>, vector<2000x16xbf16>
    %get3A_49 = arith.constant 0 : index
    %get3A_50 = arith.constant 0 : index
    %get3A_51 = vector.load %arg12[%get3A_49, %get3A_50] : memref<16x128xbf16, #tpu.memory_space<vmem>>, vector<16x128xbf16>
    %dot_general3A_52 = arith.constant dense<0.000000e+00> : vector<2000x128xf32>
    %dot_general3A_53 = tpu.matmul %get3A_48, %get3A_51, %dot_general3A_52 {dimension_numbers = #tpu.dot_dimension_numbers<[1], [0], [0], [1], [0, 0, 1, 1], [], []>, transpose_lhs_hint = false} : vector<2000x16xbf16>, vector<16x128xbf16>, vector<2000x128xf32> -> vector<2000x128xf32>
    %add3A_54 = arith.addf %dot_general3A_45, %dot_general3A_53 : vector<2000x128xf32>
    %get3A_55 = arith.constant 0 : index
    %get3A_56 = arith.constant 0 : index
    %get3A_57 = vector.load %arg13[%get3A_55, %get3A_56] : memref<100x128xbf16, #tpu.memory_space<vmem>>, vector<100x128xbf16>
    %dot_general3A_58 = arith.constant dense<0.000000e+00> : vector<2000x128xf32>
    %dot_general3A_59 = tpu.matmul %convert_element_type3A, %get3A_57, %dot_general3A_58 {dimension_numbers = #tpu.dot_dimension_numbers<[1], [0], [0], [1], [0, 0, 1, 1], [], []>, transpose_lhs_hint = false} : vector<2000x100xbf16>, vector<100x128xbf16>, vector<2000x128xf32> -> vector<2000x128xf32>
    %add3A_60 = arith.addf %add3A_54, %dot_general3A_59 : vector<2000x128xf32>
    %get3A_61 = arith.constant 0 : index
    %get3A_62 = arith.constant 0 : index
    %get3A_63 = vector.load %arg14[%get3A_61, %get3A_62] : memref<1x128xf32, #tpu.memory_space<vmem>>, vector<1x128xf32>
    %add3A_64 = vector.broadcast %get3A_63 : vector<1x128xf32> to vector<2000x128xf32>
    %add3A_65 = arith.addf %add3A_60, %add3A_64 : vector<2000x128xf32>
    %get3A_66 = arith.constant 0 : index
    %get3A_67 = arith.constant 0 : index
    %get3A_68 = vector.load %arg4[%get3A_66, %get3A_67] : memref<2000x128xf32, #tpu.memory_space<vmem>>, vector<2000x128xf32>
    %mul3A_69 = arith.mulf %get3A_68, %add3A_37 : vector<2000x128xf32>
    %slice3A = vector.extract_strided_slice %mul3A_69 {offsets = [0, 0], sizes = [2000, 64], strides = [1, 1]} : vector<2000x128xf32> to vector<2000x64xf32>
    %reduce_sum3A = arith.constant dense<0.000000e+00> : vector<2000xf32>
    %reduce_sum3A_70 = vector.multi_reduction <add>, %slice3A, %reduce_sum3A [1] : vector<2000x64xf32> to vector<2000xf32>
    %broadcast_in_dim3A = vector.shape_cast %reduce_sum3A_70 : vector<2000xf32> to vector<2000x1xf32>
    %slice3A_71 = vector.extract_strided_slice %mul3A_69 {offsets = [0, 64], sizes = [2000, 64], strides = [1, 1]} : vector<2000x128xf32> to vector<2000x64xf32>
    %reduce_sum3A_72 = arith.constant dense<0.000000e+00> : vector<2000xf32>
    %reduce_sum3A_73 = vector.multi_reduction <add>, %slice3A_71, %reduce_sum3A_72 [1] : vector<2000x64xf32> to vector<2000xf32>
    %broadcast_in_dim3A_74 = vector.shape_cast %reduce_sum3A_73 : vector<2000xf32> to vector<2000x1xf32>
    %gt3A = arith.constant 0.000000e+00 : f32
    %gt3A_75 = vector.broadcast %gt3A : f32 to vector<2000x1xf32>
    %gt3A_76 = arith.cmpf ogt, %broadcast_in_dim3A, %gt3A_75 : vector<2000x1xf32>
    %mul3A_77 = arith.constant 2.000000e-01 : f32
    %mul3A_78 = vector.broadcast %mul3A_77 : f32 to vector<2000x1xf32>
    %mul3A_79 = arith.mulf %mul3A_78, %broadcast_in_dim3A : vector<2000x1xf32>
    %select_n3A = arith.select %gt3A_76, %broadcast_in_dim3A, %mul3A_79 : vector<2000x1xi1>, vector<2000x1xf32>
    %exp3A = math.exp %select_n3A : vector<2000x1xf32>
    %gt3A_80 = arith.constant 0.000000e+00 : f32
    %gt3A_81 = vector.broadcast %gt3A_80 : f32 to vector<2000x1xf32>
    %gt3A_82 = arith.cmpf ogt, %broadcast_in_dim3A_74, %gt3A_81 : vector<2000x1xf32>
    %mul3A_83 = arith.constant 2.000000e-01 : f32
    %mul3A_84 = vector.broadcast %mul3A_83 : f32 to vector<2000x1xf32>
    %mul3A_85 = arith.mulf %mul3A_84, %broadcast_in_dim3A_74 : vector<2000x1xf32>
    %select_n3A_86 = arith.select %gt3A_82, %broadcast_in_dim3A_74, %mul3A_85 : vector<2000x1xi1>, vector<2000x1xf32>
    %exp3A_87 = math.exp %select_n3A_86 : vector<2000x1xf32>
    %slice3A_88 = vector.extract_strided_slice %add3A_65 {offsets = [0, 0], sizes = [2000, 64], strides = [1, 1]} : vector<2000x128xf32> to vector<2000x64xf32>
    %mul3A_89 = vector.broadcast %exp3A : vector<2000x1xf32> to vector<2000x64xf32>
    %mul3A_90 = arith.mulf %slice3A_88, %mul3A_89 : vector<2000x64xf32>
    %slice3A_91 = vector.extract_strided_slice %add3A_65 {offsets = [0, 64], sizes = [2000, 64], strides = [1, 1]} : vector<2000x128xf32> to vector<2000x64xf32>
    %mul3A_92 = vector.broadcast %exp3A_87 : vector<2000x1xf32> to vector<2000x64xf32>
    %mul3A_93 = arith.mulf %slice3A_91, %mul3A_92 : vector<2000x64xf32>
    %broadcast_in_dim3A_94 = vector.shape_cast %exp3A : vector<2000x1xf32> to vector<2000x1xf32>
    %broadcast_in_dim3A_95 = vector.broadcast %broadcast_in_dim3A_94 : vector<2000x1xf32> to vector<2000x64xf32>
    %broadcast_in_dim3A_96 = vector.shape_cast %exp3A_87 : vector<2000x1xf32> to vector<2000x1xf32>
    %broadcast_in_dim3A_97 = vector.broadcast %broadcast_in_dim3A_96 : vector<2000x1xf32> to vector<2000x64xf32>
    %concatenate3A = tpu.concatenate %mul3A_90, %mul3A_93, %broadcast_in_dim3A_95, %broadcast_in_dim3A_97 in 1 : vector<2000x64xf32>, vector<2000x64xf32>, vector<2000x64xf32>, vector<2000x64xf32> -> vector<2000x256xf32>
    %swap3A = arith.constant 0 : index
    %swap3A_98 = arith.constant 0 : index
    %swap3A_99 = vector.load %arg15[%swap3A, %swap3A_98] : memref<2000x256xf32, #tpu.memory_space<vmem>>, vector<2000x256xf32>
    tpu.vector_store %arg15[%swap3A, %swap3A_98], %concatenate3A {strides = array<i32>} : memref<2000x256xf32, #tpu.memory_space<vmem>>, vector<2000x256xf32>,
    return
  }
  func.func @transform_0(%arg0: i32) -> (i32, i32) {
    %c0_i32 = arith.constant 0 : i32
    %c0_i32_0 = arith.constant 0 : i32
    return %arg0, %c0_i32 : i32, i32
  }
  func.func @transform_1(%arg0: i32) -> (i32, i32) {
    %c0_i32 = arith.constant 0 : i32
    %c0_i32_0 = arith.constant 0 : i32
    return %arg0, %c0_i32 : i32, i32
  }
  func.func @transform_2(%arg0: i32) -> (i32, i32) {
    %c0_i32 = arith.constant 0 : i32
    %c0_i32_0 = arith.constant 0 : i32
    return %arg0, %c0_i32 : i32, i32
  }
  func.func @transform_3(%arg0: i32) -> (i32, i32) {
    %c0_i32 = arith.constant 0 : i32
    %c0_i32_0 = arith.constant 0 : i32
    return %arg0, %c0_i32 : i32, i32
  }
  func.func @transform_4(%arg0: i32) -> (i32, i32) {
    %c0_i32 = arith.constant 0 : i32
    %c0_i32_0 = arith.constant 0 : i32
    %c0_i32_1 = arith.constant 0 : i32
    return %c0_i32, %c0_i32_0 : i32, i32
  }
  func.func @transform_5(%arg0: i32) -> (i32, i32) {
    %c0_i32 = arith.constant 0 : i32
    %c0_i32_0 = arith.constant 0 : i32
    %c0_i32_1 = arith.constant 0 : i32
    return %c0_i32, %c0_i32_0 : i32, i32
  }
  func.func @transform_6(%arg0: i32) -> (i32, i32) {
    %c0_i32 = arith.constant 0 : i32
    %c0_i32_0 = arith.constant 0 : i32
    %c0_i32_1 = arith.constant 0 : i32
    return %c0_i32, %c0_i32_0 : i32, i32
  }
  func.func @transform_7(%arg0: i32) -> (i32, i32) {
    %c0_i32 = arith.constant 0 : i32
    %c0_i32_0 = arith.constant 0 : i32
    %c0_i32_1 = arith.constant 0 : i32
    return %c0_i32, %c0_i32_0 : i32, i32
  }
  func.func @transform_8(%arg0: i32) -> (i32, i32) {
    %c0_i32 = arith.constant 0 : i32
    %c0_i32_0 = arith.constant 0 : i32
    %c0_i32_1 = arith.constant 0 : i32
    return %c0_i32, %c0_i32_0 : i32, i32
  }
  func.func @transform_9(%arg0: i32) -> (i32, i32) {
    %c0_i32 = arith.constant 0 : i32
    %c0_i32_0 = arith.constant 0 : i32
    %c0_i32_1 = arith.constant 0 : i32
    return %c0_i32, %c0_i32_0 : i32, i32
  }
  func.func @transform_10(%arg0: i32) -> (i32, i32) {
    %c0_i32 = arith.constant 0 : i32
    %c0_i32_0 = arith.constant 0 : i32
    %c0_i32_1 = arith.constant 0 : i32
    return %c0_i32, %c0_i32_0 : i32, i32
  }
  func.func @transform_11(%arg0: i32) -> (i32, i32) {
    %c0_i32 = arith.constant 0 : i32
    %c0_i32_0 = arith.constant 0 : i32
    %c0_i32_1 = arith.constant 0 : i32
    return %c0_i32, %c0_i32_0 : i32, i32
  }
  func.func @transform_12(%arg0: i32) -> (i32, i32) {
    %c0_i32 = arith.constant 0 : i32
    %c0_i32_0 = arith.constant 0 : i32
    %c0_i32_1 = arith.constant 0 : i32
    return %c0_i32, %c0_i32_0 : i32, i32
  }
  func.func @transform_13(%arg0: i32) -> (i32, i32) {
    %c0_i32 = arith.constant 0 : i32
    %c0_i32_0 = arith.constant 0 : i32
    %c0_i32_1 = arith.constant 0 : i32
    return %c0_i32, %c0_i32_0 : i32, i32
  }
  func.func @transform_14(%arg0: i32) -> (i32, i32) {
    %c0_i32 = arith.constant 0 : i32
    %c0_i32_0 = arith.constant 0 : i32
    return %arg0, %c0_i32 : i32, i32
  }
}

module attributes {stable_mosaic.version = 14 : i64} {
  func.func @_out_body(%arg0: memref<10000x128xf32, #tpu.memory_space<vmem>>, %arg1: memref<10000x128xf32, #tpu.memory_space<vmem>>, %arg2: memref<10000x128xf32, #tpu.memory_space<vmem>>, %arg3: memref<128x128xf32, #tpu.memory_space<vmem>>, %arg4: memref<128x128xf32, #tpu.memory_space<vmem>>, %arg5: memref<1x128xf32, #tpu.memory_space<vmem>>, %arg6: memref<1x128xf32, #tpu.memory_space<vmem>>, %arg7: memref<1x128xf32, #tpu.memory_space<vmem>>, %arg8: memref<10000x128xf32, #tpu.memory_space<vmem>>) attributes {dimension_semantics = [], scalar_prefetch = 0 : i64, scratch_operands = 0 : i64, tpu.core_type = #tpu.core_type<tc>} {
    %get3A = arith.constant 0 : index
    %get3A_0 = arith.constant 0 : index
    %get3A_1 = vector.load %arg0[%get3A, %get3A_0] : memref<10000x128xf32, #tpu.memory_space<vmem>>, vector<10000x128xf32>
    %get3A_2 = arith.constant 0 : index
    %get3A_3 = arith.constant 0 : index
    %get3A_4 = vector.load %arg1[%get3A_2, %get3A_3] : memref<10000x128xf32, #tpu.memory_space<vmem>>, vector<10000x128xf32>
    %slice3A = vector.extract_strided_slice %get3A_4 {offsets = [0, 0], sizes = [10000, 1], strides = [1, 1]} : vector<10000x128xf32> to vector<10000x1xf32>
    %add3A = arith.constant 1.000000e-16 : f32
    %add3A_5 = vector.broadcast %add3A : f32 to vector<10000x1xf32>
    %add3A_6 = arith.addf %slice3A, %add3A_5 : vector<10000x1xf32>
    %slice3A_7 = vector.extract_strided_slice %get3A_4 {offsets = [0, 64], sizes = [10000, 1], strides = [1, 1]} : vector<10000x128xf32> to vector<10000x1xf32>
    %add3A_8 = arith.constant 1.000000e-16 : f32
    %add3A_9 = vector.broadcast %add3A_8 : f32 to vector<10000x1xf32>
    %add3A_10 = arith.addf %slice3A_7, %add3A_9 : vector<10000x1xf32>
    %slice3A_11 = vector.extract_strided_slice %get3A_1 {offsets = [0, 0], sizes = [10000, 64], strides = [1, 1]} : vector<10000x128xf32> to vector<10000x64xf32>
    %div3A = vector.broadcast %add3A_6 : vector<10000x1xf32> to vector<10000x64xf32>
    %div3A_12 = arith.divf %slice3A_11, %div3A : vector<10000x64xf32>
    %slice3A_13 = vector.extract_strided_slice %get3A_1 {offsets = [0, 64], sizes = [10000, 64], strides = [1, 1]} : vector<10000x128xf32> to vector<10000x64xf32>
    %div3A_14 = vector.broadcast %add3A_10 : vector<10000x1xf32> to vector<10000x64xf32>
    %div3A_15 = arith.divf %slice3A_13, %div3A_14 : vector<10000x64xf32>
    %concatenate3A = tpu.concatenate %div3A_12, %div3A_15 in 1 : vector<10000x64xf32>, vector<10000x64xf32> -> vector<10000x128xf32>
    %get3A_16 = arith.constant 0 : index
    %get3A_17 = arith.constant 0 : index
    %get3A_18 = vector.load %arg3[%get3A_16, %get3A_17] : memref<128x128xf32, #tpu.memory_space<vmem>>, vector<128x128xf32>
    %dot_general3A = arith.constant dense<0.000000e+00> : vector<10000x128xf32>
    %dot_general3A_19 = tpu.matmul %concatenate3A, %get3A_18, %dot_general3A {dimension_numbers = #tpu.dot_dimension_numbers<[1], [0], [0], [1], [0, 0, 1, 1], [], []>, transpose_lhs_hint = false} : vector<10000x128xf32>, vector<128x128xf32>, vector<10000x128xf32> -> vector<10000x128xf32>
    %get3A_20 = arith.constant 0 : index
    %get3A_21 = arith.constant 0 : index
    %get3A_22 = vector.load %arg2[%get3A_20, %get3A_21] : memref<10000x128xf32, #tpu.memory_space<vmem>>, vector<10000x128xf32>
    %get3A_23 = arith.constant 0 : index
    %get3A_24 = arith.constant 0 : index
    %get3A_25 = vector.load %arg4[%get3A_23, %get3A_24] : memref<128x128xf32, #tpu.memory_space<vmem>>, vector<128x128xf32>
    %dot_general3A_26 = arith.constant dense<0.000000e+00> : vector<10000x128xf32>
    %dot_general3A_27 = tpu.matmul %get3A_22, %get3A_25, %dot_general3A_26 {dimension_numbers = #tpu.dot_dimension_numbers<[1], [0], [0], [1], [0, 0, 1, 1], [], []>, transpose_lhs_hint = false} : vector<10000x128xf32>, vector<128x128xf32>, vector<10000x128xf32> -> vector<10000x128xf32>
    %add3A_28 = arith.addf %dot_general3A_19, %dot_general3A_27 : vector<10000x128xf32>
    %get3A_29 = arith.constant 0 : index
    %get3A_30 = arith.constant 0 : index
    %get3A_31 = vector.load %arg5[%get3A_29, %get3A_30] : memref<1x128xf32, #tpu.memory_space<vmem>>, vector<1x128xf32>
    %add3A_32 = vector.broadcast %get3A_31 : vector<1x128xf32> to vector<10000x128xf32>
    %add3A_33 = arith.addf %add3A_28, %add3A_32 : vector<10000x128xf32>
    %max3A = arith.constant 0.000000e+00 : f32
    %max3A_34 = vector.broadcast %max3A : f32 to vector<10000x128xf32>
    %max3A_35 = arith.maximumf %add3A_33, %max3A_34 : vector<10000x128xf32>
    %reduce_sum3A = arith.constant dense<0.000000e+00> : vector<10000xf32>
    %reduce_sum3A_36 = vector.multi_reduction <add>, %max3A_35, %reduce_sum3A [1] : vector<10000x128xf32> to vector<10000xf32>
    %broadcast_in_dim3A = vector.shape_cast %reduce_sum3A_36 : vector<10000xf32> to vector<10000x1xf32>
    %div3A_37 = arith.constant 1.280000e+02 : f32
    %div3A_38 = vector.broadcast %div3A_37 : f32 to vector<10000x1xf32>
    %div3A_39 = arith.divf %broadcast_in_dim3A, %div3A_38 : vector<10000x1xf32>
    %sub3A = vector.broadcast %div3A_39 : vector<10000x1xf32> to vector<10000x128xf32>
    %sub3A_40 = arith.subf %max3A_35, %sub3A : vector<10000x128xf32>
    %mul3A = arith.mulf %sub3A_40, %sub3A_40 : vector<10000x128xf32>
    %reduce_sum3A_41 = arith.constant dense<0.000000e+00> : vector<10000xf32>
    %reduce_sum3A_42 = vector.multi_reduction <add>, %mul3A, %reduce_sum3A_41 [1] : vector<10000x128xf32> to vector<10000xf32>
    %broadcast_in_dim3A_43 = vector.shape_cast %reduce_sum3A_42 : vector<10000xf32> to vector<10000x1xf32>
    %div3A_44 = arith.constant 1.280000e+02 : f32
    %div3A_45 = vector.broadcast %div3A_44 : f32 to vector<10000x1xf32>
    %div3A_46 = arith.divf %broadcast_in_dim3A_43, %div3A_45 : vector<10000x1xf32>
    %add3A_47 = arith.constant 9.99999974E-6 : f32
    %add3A_48 = vector.broadcast %add3A_47 : f32 to vector<10000x1xf32>
    %add3A_49 = arith.addf %div3A_46, %add3A_48 : vector<10000x1xf32>
    %rsqrt3A = math.rsqrt %add3A_49 : vector<10000x1xf32>
    %mul3A_50 = vector.broadcast %rsqrt3A : vector<10000x1xf32> to vector<10000x128xf32>
    %mul3A_51 = arith.mulf %sub3A_40, %mul3A_50 : vector<10000x128xf32>
    %get3A_52 = arith.constant 0 : index
    %get3A_53 = arith.constant 0 : index
    %get3A_54 = vector.load %arg6[%get3A_52, %get3A_53] : memref<1x128xf32, #tpu.memory_space<vmem>>, vector<1x128xf32>
    %mul3A_55 = vector.broadcast %get3A_54 : vector<1x128xf32> to vector<10000x128xf32>
    %mul3A_56 = arith.mulf %mul3A_51, %mul3A_55 : vector<10000x128xf32>
    %get3A_57 = arith.constant 0 : index
    %get3A_58 = arith.constant 0 : index
    %get3A_59 = vector.load %arg7[%get3A_57, %get3A_58] : memref<1x128xf32, #tpu.memory_space<vmem>>, vector<1x128xf32>
    %add3A_60 = vector.broadcast %get3A_59 : vector<1x128xf32> to vector<10000x128xf32>
    %add3A_61 = arith.addf %mul3A_56, %add3A_60 : vector<10000x128xf32>
    %swap3A = arith.constant 0 : index
    %swap3A_62 = arith.constant 0 : index
    %swap3A_63 = vector.load %arg8[%swap3A, %swap3A_62] : memref<10000x128xf32, #tpu.memory_space<vmem>>, vector<10000x128xf32>
    tpu.vector_store %arg8[%swap3A, %swap3A_62], %add3A_61 {strides = array<i32>} : memref<10000x128xf32, #tpu.memory_space<vmem>>, vector<10000x128xf32>,
    return
  }
}

</mosaic_0001>

<sc_bundles>
// kernel: kernel.10.cloned.1.call-start
scs
__scs_entry_jumppad:
0x0: {  	(pc) =	sbr.rel $0x88, $3  }
0x1: {  	(tag) =	ssettag $0x0;
	lr =	simm.s32 $0x1  }
0x2: {  	[smem:$0x3F91] =	sst lr;
	_ =	strace $0xD0000000  }
0x3: {  	_ = 	snop  }
0x4: {  	_ = 	snop  }
0x5: {  	_ = 	snop  }
0x6: {  	_ = 	snop  }
0x7: {  	_ = 	snop  }
__scs_overlays_trampoline_lowered:
0x8: {  	[smem:$0x3FA0] =	sst s0  }
0x9: {  	[smem:$0x3FA1] =	sst s1  }
0xa: {  	[smem:$0x3FA2] =	sst s2  }
0xb: {  	[smem:$0x3FA3] =	sst s3  }
0xc: {  	[smem:$0x3FA4] =	sst s4  }
0xd: {  	[smem:$0x3FA5] =	sst s5  }
0xe: {  	[smem:$0x3FA6] =	sst s6  }
0xf: {  	[smem:$0x3FA7] =	sst s7  }
0x10: {  	[smem:$0x3FA8] =	sst s8  }
0x11: {  	[smem:$0x3FA9] =	sst s9;
	s0 =	simm.s32 @!p0 $0x0  }
0x12: {  	s1 =	sld [smem:$0x3F8F];
	s0 =	simm.s32 @p0 $0x1  }
0x13: {  	[smem:$0x3FAA] =	sst s0;
	s0 =	simm.s32 @!p1 $0x0  }
0x14: {  	s2 =	sld [smem:$0x3F8E];
	s0 =	simm.s32 @p1 $0x1  }
0x15: {  	[smem:$0x3FAB] =	sst s0;
	s0 =	simm.s32 @!p2 $0x0  }
0x16: {  	s3 =	sld [smem:$0x3FDB];
	s0 =	simm.s32 @p2 $0x1  }
0x17: {  	s4 =	simm.s32 $0x1BF5;
	[smem:$0x3FAD] =	sst s0  }
0x18: {  	s0 =	sld [smem:$0x3F90];
	_ =	swait.ge [sflag:s4], $0x0  }
0x19: {  	s7 =	sld [smem:$0x3F91]  }
0x1a: {  	s8 =	sadd.s32 $0xFFFFE003, lr  }
0x1b: {  	s9 =	sadd.s32 $0xFFFFFEF7, lr;
	s5 =	simm.s32 $0xFFFFFFFF;
	p2 =	slt.u32 s8, $0xFFFFF086  }
0x1c: {  	p1 =	slt.u32 s9, $0xF7A;
	s5 =	simm.s32 @!p2 $0x0  }
0x1d: {  	s5 =	simm.s32 @p1 $0x1;
	p0 =	seq.s32 s7, s2  }
0x1e: {  	s7 =	smul.u32 @!p0 $0xF7A, s2;
	p2 =	seq.s32 @!p0 s5, $0x0  }
0x1f: {  	s9 =	smul.u32 $0xF7A, s1;
	s8 =	simm.s32 @!p0 $0x1BF5;
	p2 =	por !p2, p0  }
0x20: {  	[sflag:s8] =	ssyncset.s32 @!p0 $0xFFFFF086;
	s6 =	sadd.s32 @!p0 s3, s7;
	s7 =	simm.s32 @!p0 $0x108  }
0x21: {  	s3 =	sadd.s32 s3, s9;
	s6 =	sadd.s32 @!p0 $0x88, s6;
	s7 =	simm.s32 @p2 $0x1082  }
0x22: {  	[simem:s7], [sflag:s8] =	dma.local @!p0 [hbm:s6], $0xF7A  }
0x23: {  	s9 =	sor.u32 $0xD0000000, s2;
	s6 =	simm.s32 $0x108;
	_ =	swait.ge @!p0 [sflag:s8], $0x0  }
0x24: {  	s3 =	sadd.s32 $0x88, s3;
	s6 =	simm.s32 @!p1 $0x1082;
	[sflag:s4] =	ssyncset.s32 $0xFFFFF086  }
0x25: {  	[simem:s6], [sflag:s4] =	dma.local [hbm:s3], $0xF7A  }
0x26: {  	[smem:$0x3F91] =	sst s1;
	(tag) =	ssettag s2;
	_ =	strace s9  }
0x27: {  	s1 =	sld [smem:$0x3FA1]  }
0x28: {  	s2 =	sld [smem:$0x3FA2]  }
0x29: {  	s4 =	sld [smem:$0x3FA4]  }
0x2a: {  	p0 =	seq.s32 s5, $0x0;
	s5 =	sld [smem:$0x3FA5]  }
0x2b: {  	s6 =	sld [smem:$0x3FA6]  }
0x2c: {  	s7 =	sld [smem:$0x3FA7]  }
0x2d: {  	s3 =	simm.s32 $0x108;
	s8 =	sld [smem:$0x3FA8]  }
0x2e: {  	s3 =	simm.s32 @!p0 $0x1082;
	s9 =	sld [smem:$0x3FA9]  }
0x2f: {  	lr =	sadd.s32 s0, s3;
	s0 =	sld [smem:$0x3FA0]  }
0x30: {  	s3 =	sld [smem:$0x3FA3]  }
0x31: {  	[smem:$0x3FAC] =	sst s10  }
0x32: {  	s10 =	sld [smem:$0x3FAA];
	_ =	sdelay $0x3  }
0x33: {  	p0 =	seq.s32 s10, $0x1;
	s10 =	sld [smem:$0x3FAC];
	_ =	sdelay $0x3  }
0x34: {  	[smem:$0x3FAC] =	sst s10  }
0x35: {  	s10 =	sld [smem:$0x3FAB];
	_ =	sdelay $0x3  }
0x36: {  	p1 =	seq.s32 s10, $0x1;
	s10 =	sld [smem:$0x3FAC];
	_ =	sdelay $0x3  }
0x37: {  	[smem:$0x3FAC] =	sst s10  }
0x38: {  	s10 =	sld [smem:$0x3FAD]  }
0x39: {  	_ = 	snop;
	(pc) =	sbr.ind lr, $3  }
0x3a: {  	_ = 	snop  }
0x3b: {  	_ = 	snop  }
0x3c: {  	p2 =	seq.s32 s10, $0x1;
	s10 =	sld [smem:$0x3FAC]  }
0x3d: {  	_ =	shalt  }
0x3e: {  	_ =	shalt  }
0x3f: {  	_ =	shalt  }
0x40: {  	_ =	shalt  }
0x41: {  	_ =	shalt  }
0x42: {  	_ =	shalt  }
0x43: {  	_ =	shalt  }
0x44: {  	_ =	shalt  }
0x45: {  	_ =	shalt  }
0x46: {  	_ =	shalt  }
0x47: {  	_ =	shalt  }
0x48: {  	_ =	shalt  }
0x49: {  	_ =	shalt  }
0x4a: {  	_ =	shalt  }
0x4b: {  	_ =	shalt  }
0x4c: {  	_ =	shalt  }
0x4d: {  	_ =	shalt  }
0x4e: {  	_ =	shalt  }
0x4f: {  	_ =	shalt  }
0x50: {  	_ =	shalt  }
0x51: {  	_ =	shalt  }
0x52: {  	_ =	shalt  }
0x53: {  	_ =	shalt  }
0x54: {  	_ =	shalt  }
0x55: {  	_ =	shalt  }
0x56: {  	_ =	shalt  }
0x57: {  	_ =	shalt  }
0x58: {  	_ =	shalt  }
0x59: {  	_ =	shalt  }
0x5a: {  	_ =	shalt  }
0x5b: {  	_ =	shalt  }
0x5c: {  	_ =	shalt  }
0x5d: {  	_ =	shalt  }
0x5e: {  	_ =	shalt  }
0x5f: {  	_ =	shalt  }
0x60: {  	_ =	shalt  }
0x61: {  	_ =	shalt  }
0x62: {  	_ =	shalt  }
0x63: {  	_ =	shalt  }
0x64: {  	_ =	shalt  }
0x65: {  	_ =	shalt  }
0x66: {  	_ =	shalt  }
0x67: {  	_ =	shalt  }
0x68: {  	_ =	shalt  }
0x69: {  	_ =	shalt  }
0x6a: {  	_ =	shalt  }
0x6b: {  	_ =	shalt  }
0x6c: {  	_ =	shalt  }
0x6d: {  	_ =	shalt  }
0x6e: {  	_ =	shalt  }
0x6f: {  	_ =	shalt  }
0x70: {  	_ =	shalt  }
0x71: {  	_ =	shalt  }
0x72: {  	_ =	shalt  }
0x73: {  	_ =	shalt  }
0x74: {  	_ =	shalt  }
0x75: {  	_ =	shalt  }
0x76: {  	_ =	shalt  }
0x77: {  	_ =	shalt  }
0x78: {  	_ =	shalt  }
0x79: {  	_ =	shalt  }
0x7a: {  	_ =	shalt  }
0x7b: {  	_ =	shalt  }
0x7c: {  	_ =	shalt  }
0x7d: {  	_ =	shalt  }
0x7e: {  	_ =	shalt  }
0x7f: {  	_ =	shalt  }
0x80: {  	_ =	shalt  }
0x81: {  	_ =	shalt  }
0x82: {  	_ =	shalt  }
0x83: {  	_ =	shalt  }
0x84: {  	_ =	shalt  }
0x85: {  	_ =	shalt  }
0x86: {  	_ =	shalt  }
0x87: {  	_ =	shalt  }
.Lfunc_end0:
.L_simem_size_0:
called_computation.1_lowered:
.L_overlay_start_0:
0x88: {  	s2 =	sld [smem:$0x3FD9]  }
0x89: {  	s3 =	sld [smem:$0x3FFE];
	_ =	sdelay $0x1  }
0x8a: {  	s1 =	srdreg.scid  }
0x8b: {  	s0 =	sand.u32 $0x1, s1  }
0x8c: {  	s17 =	sshll.u32 s0, $0xA;
	s2 =	sadd.s32 s3, s2  }
0x8d: {  	s2 =	sadd.s32 s2, s17  }
0x8e: {  	[smem:$0x3FB8] =	sst s2  }
0x8f: {  	_ = 	snop  }
0x90: {  	s2 =	sld [smem:$0x3FC6]  }
0x91: {  	s18 =	sld [smem:$0x3FD0];
	(tm) =	ssettm $0x1  }
0x92: {  	s4 =	sld [smem:$0x3FFB];
	_ =	sdelay $0x3  }
0x93: {  	_ =	strace s4  }
0x94: {  	s4 =	sld [smem:$0x3FFC];
	_ =	sdelay $0x3  }
0x95: {  	_ =	strace s4  }
0x96: {  	s4 =	sld [smem:$0x3FFD];
	_ =	sdelay $0x3  }
0x97: {  	_ =	strace s4  }
0x98: {  	_ =	strace $0x8FFFFFFF  }
0x99: {  	s19 =	sld [smem:$0x3FDB];
	_ =	sdelay $0x1  }
0x9a: {  	s5 =	simm.s32 $_scs_section_size  }
0x9b: {  	s6 =	simm.s32 $_size__tile_overlayer_lowered;
	s7 =	simm.s32 $_tile_overlayer_lowered  }
0x9c: {  	s22 =	simm.s32 $0x1BFF;
	s21 =	sshll.u32 s7, $0x1;
	s4 =	sadd.s32 s5, s19  }
0x9d: {  	s8 =	simm.s32 $0x0;
	s20 =	sshll.u32 s6, $0x1;
	s6 =	sadd.s32 s21, s4  }
0x9e: {  	[timem:s8], [sflag:s22] =	dma.local [hbm:s6], s20  }
0x9f: {  	_ =	swait.ge [sflag:s22], s20  }
0xa0: {  	s5 =	ssub.s32 $0x0, s20;
	[sflag:s22] =	ssyncset.done $0x0  }
0xa1: {  	[sflag:s22] =	ssyncadd.s32 s5;
	_ =	sdelay $0x1  }
0xa2: {  	s23 =	simm.s32 $0x1B8B  }
0xa3: {  	_ =	swait.ge [sflag:s23], $0x1  }
0xa4: {  	[sflag:s23] =	ssyncset.done $0x0  }
0xa5: {  	s25 =	simm.s32 $0x1B8E;
	s24 =	sld [smem:$0x3FFE];
	[sflag:s23] =	ssyncadd.s32 $0xFFFFFFFF  }
0xa6: {  	s26 =	simm.s32 $execute0_lowered;
	[smem:$0x3FD2] =	sst s25  }
0xa7: {  	s6 =	sshll.u32 s26, $0x1;
	_ =	strace $0x80000049;
	[dreg:$0x1] =	wrdreg $0xFFFFFFFF  }
0xa8: {  	s28 =	simm.s32 $_size_execute0_lowered;
	s4 =	sadd.s32 s4, s6;
	[dreg:$0x0] =	wrdreg $0x0  }
0xa9: {  	s6 =	sshll.u32 s28, $0x1;
	[dreg:$0x2] =	wrdreg s4  }
0xaa: {  	[dreg:$0x3] =	wrdreg s6  }
0xab: {  	[dreg:$0x4] =	wrdreg $0xC0  }
0xac: {  	_ =	task [dreg:s8], $0x5FFFF  }
0xad: {  	[dreg:$0x1] =	wrdreg $0xFFFFFFFF  }
0xae: {  	[dreg:$0x0] =	wrdreg $0x60  }
0xaf: {  	[dreg:$0x2] =	wrdreg s24  }
0xb0: {  	[dreg:$0x3] =	wrdreg s2  }
0xb1: {  	[dreg:$0x4] =	wrdreg s18  }
0xb2: {  	[dreg:$0x5] =	wrdreg $0x28800  }
0xb3: {  	[dreg:$0x6] =	wrdreg $0x9  }
0xb4: {  	_ =	task.clear_ibuf [dreg:s8], $0x7FFFF;
	_ =	strace $0x90000049  }
0xb5: {  	s29 =	simm.s32 $0x9;
	_ =	strace $0x8000004B  }
0xb6: {  	_ =	swait.ge [sflag:s29], $0x1  }
0xb7: {  	[sflag:s29] =	ssyncadd.s32 $0xFFFFFFFF  }
0xb8: {  	_ =	strace $0x9000004B  }
0xb9: {  	_ =	sfence  }
0xba: {  	s30 =	sld [smem:$0x0];
	_ =	sdelay $0x2  }
0xbb: {  	s31 =	sshll.u32 s1, $0xD;
	s1 =	sshrl.u32 s1, $0x2  }
0xbc: {  	s3 =	sand.u32 $0x4000, s31;
	s1 =	sadd.s32 s1, s30  }
0xbd: {  	s0 =	sor.u32 s3, s0;
	s1 =	sshll.u32 s1, $0x11  }
0xbe: {  	s0 =	sor.u32 s1, s0  }
0xbf: {  	s0 =	sadd.s32 $0x8F2B, s0  }
0xc0: {  	[sflag:s0] =	ssyncadd.remote.s32 $0x1  }
0xc1: {  	_ =	sfence.sel $0xFFFF  }
0xc2: {  	[dreg:$0x0] =	wrdreg $0xFFFFFFFF;
	(pc) =	sbr.abs _section_cstart, $3  }
0xc3: {  	[dreg:$0x1] =	wrdreg $0xFFFFFFFF  }
0xc4: {  	_ =	task.clear_ibuf [dreg:s8], $0x2FFFF;
	_ =	strace $0x9FFFFFFF  }
0xc5: {  	(tm) =	ssettm $0x7FFFFFFF  }
tec
execute0_lowered:
.L_overlay_start_1:
0x0: {  	(tag) =	ssettag $0x1  }
0x1: {  	s5 =	rddreg [dreg:$0x0]  }
0x2: {  	s9 =	rddreg [dreg:$0x1]  }
0x3: {  	s2 =	rddreg [dreg:$0x2]  }
0x4: {  	s3 =	rddreg [dreg:$0x3]  }
0x5: {  	s0 =	rddreg [dreg:$0x4];
	s1 =	stileid.u32  }
0x6: {  	s7 =	srdreg.scid;
	s4 =	simm.s32 $0x0;
	s6 =	smul.u32 $0x9C400, s1  }
0x7: {  	s14 =	simm.s32 $0x80;
	s15 =	simm.s32 $0x50;
	s8 =	smul.u32 $0x2780, s1  }
0x8: {  	s16 =	simm.s32 $0x0;
	s7 =	sand.u32 $0x1, s7;
	s11 =	smul.u32 $0x4F000, s1  }
0x9: {  	[smem:$0x7FF] =	sst s4;
	s29 =	sshll.u32 s1, $0x6;
	s13 =	smul.u32 $0x9C4, s1  }
0xa: {  	s10 =	smul.u32 $0x27800, s7;
	_ =	strace $0x8000004A;
	s25 =	ssub.s32 $0x2, s7  }
0xb: {  	s30 =	sshll.u32 s7, $0x7;
	s12 =	sadd.s32 s6, s5;
	s26 =	sshrl.u32 s25, $0x1  }
0xc: {  	s28 =	sshrl.u32 s11, $0x2;
	s9 =	sadd.s32 s13, s9;
	s11 =	simm.s32 $0x1  }
0xd: {  	s13 =	simm.s32 $0x800;
	s24 =	sadd.s32 s8, s10;
	s8 =	ssub.s32 s25, s26  }
0xe: {  	s10 =	sadd.s32 s28, s3;
	s31 =	sadd.s32 s30, s12;
	s12 =	simm.s32 $0x400  }
0xf: {  	s6 =	sadd.s32 s24, s5;
	s5 =	sor.u32 $0x1C01, s29;
	s7 =	smax.u32 s8, $0x1  }
0x10: {  	s8 =	sadd.s32 $0xED1E00, s31;
	s10 =	sshrl.u32 s10, $0x3;
	s6 =	sadd.s32 $0x2BE00, s6  }
.LBB2_1:
0x11: {  	[spmem:s10], [sflag:s5] =	dma.local [hbm:s2], $0x2780  }
0x12: {  	_ =	swait.ge [sflag:s11], $0x2780  }
0x13: {  	[sflag:s11] =	ssyncset.done $0x0  }
0x14: {  	[sflag:s11] =	ssyncadd.s32 $0xFFFFD880  }
0x15: {  	s17 =	sadd.s32 $0x0, s9;
	[bflag:$0x0] =	sbarrier.arrive $0xFFFF  }
0x16: {  	[tilespmem:s4], [sflag:$0x1] =	stream.linear.gather [hbm4b:s17+s4], $0x50, $0x38;
	[tilespmem:$0x16480] =	vst v63  }
0x17: {  	_ =	swait.ge [sflag:s11], $0x50  }
0x18: {  	[sflag:s11] =	ssyncset.done $0x0  }
0x19: {  	[sflag:s11] =	ssyncadd.s32 $0xFFFFFFB0  }
0x1a: {  	[tilespmem:s14], [sflag:$0x1] =	stream.strided.gather [hbm4b:s8+s12], $0x2800, s13, s12, $0x38;
	[tilespmem:$0x16480] =	vst v63  }
0x1b: {  	_ =	swait.ge [sflag:s11], $0x2800  }
0x1c: {  	[sflag:s11] =	ssyncset.done $0x0  }
0x1d: {  	[sflag:s11] =	ssyncadd.s32 $0xFFFFD800  }
0x1e: {  	[spmem:s3] =	stream.indirect.scatter.add.f32 [tilespmem:s14], [sflag:$0x1], $0x80, s4, s15, $0xb8;
	[tilespmem:$0x16480] =	vst v63  }
0x1f: {  	s18 =	simm.s32 $0xA;
	_ =	swait.ge [sflag:s11], $0x2800  }
0x20: {  	s19 =	simm.s32 $0x14;
	s17 =	sadd.s32 $0xA00, s8;
	[sflag:s11] =	ssyncset.done $0x0  }
.LBB2_2:
0x21: {  	s20 =	sadd.s32 s18, s9  }
0x22: {  	[sflag:s11] =	ssyncadd.s32 $0xFFFFD800;
	s18 =	smov.u32 s19;
	s21 =	sadd.s32 $0xA, s19  }
0x23: {  	[tilespmem:s4], [sflag:$0x1] =	stream.linear.gather [hbm4b:s20+s4], $0x50, $0x38;
	[tilespmem:$0x16480] =	vst v63  }
0x24: {  	p0 =	sne.s32 s19, $0x9BA;
	_ =	swait.ge [sflag:s11], $0x50  }
0x25: {  	[sflag:s11] =	ssyncset.done $0x0  }
0x26: {  	[sflag:s11] =	ssyncadd.s32 $0xFFFFFFB0  }
0x27: {  	[tilespmem:s14], [sflag:$0x1] =	stream.strided.gather [hbm4b:s17+s12], $0x2800, s13, s12, $0x38;
	[tilespmem:$0x16480] =	vst v63  }
0x28: {  	_ =	swait.ge [sflag:s11], $0x2800  }
.Ltmp0:
0x29: {  	[sflag:s11] =	ssyncset.done $0x0;
	(pc) =	sbr.rel @p0 .LBB2_2-.Ltmp0, $4  }
0x2a: {  	[sflag:s11] =	ssyncadd.s32 $0xFFFFD800  }
0x2b: {  	[spmem:s3] =	stream.indirect.scatter.add.f32 [tilespmem:s14], [sflag:$0x1], $0x80, s4, s15, $0xb8;
	[tilespmem:$0x16480] =	vst v63  }
0x2c: {  	_ =	swait.ge [sflag:s11], $0x2800  }
0x2d: {  	s19 =	smov.u32 s21;
	s17 =	sadd.s32 $0xA00, s17;
	[sflag:s11] =	ssyncset.done $0x0  }
0x2e: {  	s18 =	sadd.s32 s18, s9;
	[sflag:s11] =	ssyncadd.s32 $0xFFFFD800  }
0x2f: {  	[tilespmem:s4], [sflag:$0x1] =	stream.linear.gather [hbm4b:s18+s4], $0x50, $0x38;
	[tilespmem:$0x16480] =	vst v63  }
0x30: {  	_ =	swait.ge [sflag:s11], $0x50  }
0x31: {  	[sflag:s11] =	ssyncset.done $0x0  }
0x32: {  	[sflag:s11] =	ssyncadd.s32 $0xFFFFFFB0  }
0x33: {  	[tilespmem:s14], [sflag:$0x1] =	stream.strided.gather [hbm4b:s17+s12], $0x2800, s13, s12, $0x38;
	[tilespmem:$0x16480] =	vst v63  }
0x34: {  	_ =	swait.ge [sflag:s11], $0x2800  }
0x35: {  	[sflag:s11] =	ssyncset.done $0x0  }
0x36: {  	[sflag:s11] =	ssyncadd.s32 $0xFFFFD800  }
0x37: {  	[spmem:s3] =	stream.indirect.scatter.add.f32 [tilespmem:s14], [sflag:$0x1], $0x80, s4, s15, $0xb8;
	[tilespmem:$0x16480] =	vst v63  }
0x38: {  	_ =	swait.ge [sflag:s11], $0x2800  }
0x39: {  	s16 =	sadd.s32 $0x1, s16;
	[sflag:s11] =	ssyncset.done $0x0  }
0x3a: {  	p0 =	sne.s32 s16, s7;
	[sflag:s11] =	ssyncadd.s32 $0xFFFFD800  }
.Ltmp1:
0x3b: {  	[bflag:$0x0] =	sbarrier.arrive $0xFFFF;
	(pc) =	sbr.rel @p0 .LBB2_1-.Ltmp1, $4  }
0x3c: {  	[hbm:s6], [sflag:s5] =	dma.local [spmem:s10], $0x2780  }
0x3d: {  	_ =	swait.ge [sflag:s11], $0x2780  }
0x3e: {  	[sflag:s11] =	ssyncset.done $0x0  }
0x3f: {  	[sflag:s11] =	ssyncadd.s32 $0xFFFFD880  }
0x40: {  	_ =	sfence.sel $0x180000  }
0x41: {  	[bflag:$0x0] =	sbarrier.arrive $0xFFFF  }
0x42: {  	p0 =	sne.s32 s1, $0x0;
	_ =	strace $0x9000004A  }
0x43: {  	s0 =	sadd.s32 @!p0 $0x100000, s0;
	[bflag:$0x2] =	sbarrier.arrive $0xFFFF  }
0x44: {  	[sflag:s0] =	ssyncadd.tile.s32 @!p0 $0x1;
	_ =	shalt  }
.Lfunc_end2:
_tile_overlayer_lowered:
.L_overlay_start_2:
0x45: {  	(tag) =	ssettag $0x2  }
0x46: {  	s0 =	rddreg [dreg:$0x0];
	s2 =	stileid.u32  }
0x47: {  	s1 =	rddreg [dreg:$0x1];
	p0 =	sne.s32 s2, $0x0  }
0x48: {  	s3 =	rddreg [dreg:$0x2];
	[bflag:$0x3] =	sbarrier.arrive $0xFFFF;
	s2 =	simm.s32 @!p0 $0x1C01  }
0x49: {  	[timem:s3], [sflag:s2] =	dma.local @!p0 [hbm:s0], s1  }
0x4a: {  	s0 =	simm.s32 @!p0 $0x1  }
0x4b: {  	_ =	swait.ge @!p0 [sflag:s0], s1  }
0x4c: {  	s1 =	ssub.s32 @!p0 $0x0, s1;
	[sflag:s0] =	ssyncset.done @!p0 $0x0  }
0x4d: {  	[sflag:s0] =	ssyncadd.s32 @!p0 s1  }
0x4e: {  	[bflag:$0x3] =	sbarrier.arrive $0xFFFF  }
0x4f: {  	_ =	shalt  }

// kernel: kernel.7.cloned.1.call-start
scs
__scs_entry_jumppad:
0x0: {  	(pc) =	sbr.rel $0x88, $3  }
0x1: {  	(tag) =	ssettag $0x0;
	lr =	simm.s32 $0x1  }
0x2: {  	[smem:$0x3F91] =	sst lr;
	_ =	strace $0xD0000000  }
0x3: {  	_ = 	snop  }
0x4: {  	_ = 	snop  }
0x5: {  	_ = 	snop  }
0x6: {  	_ = 	snop  }
0x7: {  	_ = 	snop  }
__scs_overlays_trampoline_lowered:
0x8: {  	[smem:$0x3FA0] =	sst s0  }
0x9: {  	[smem:$0x3FA1] =	sst s1  }
0xa: {  	[smem:$0x3FA2] =	sst s2  }
0xb: {  	[smem:$0x3FA3] =	sst s3  }
0xc: {  	[smem:$0x3FA4] =	sst s4  }
0xd: {  	[smem:$0x3FA5] =	sst s5  }
0xe: {  	[smem:$0x3FA6] =	sst s6  }
0xf: {  	[smem:$0x3FA7] =	sst s7  }
0x10: {  	[smem:$0x3FA8] =	sst s8  }
0x11: {  	[smem:$0x3FA9] =	sst s9;
	s0 =	simm.s32 @!p0 $0x0  }
0x12: {  	s1 =	sld [smem:$0x3F8F];
	s0 =	simm.s32 @p0 $0x1  }
0x13: {  	[smem:$0x3FAA] =	sst s0;
	s0 =	simm.s32 @!p1 $0x0  }
0x14: {  	s2 =	sld [smem:$0x3F8E];
	s0 =	simm.s32 @p1 $0x1  }
0x15: {  	[smem:$0x3FAB] =	sst s0;
	s0 =	simm.s32 @!p2 $0x0  }
0x16: {  	s3 =	sld [smem:$0x3FDB];
	s0 =	simm.s32 @p2 $0x1  }
0x17: {  	s4 =	simm.s32 $0x1BF5;
	[smem:$0x3FAD] =	sst s0  }
0x18: {  	s0 =	sld [smem:$0x3F90];
	_ =	swait.ge [sflag:s4], $0x0  }
0x19: {  	s7 =	sld [smem:$0x3F91]  }
0x1a: {  	s8 =	sadd.s32 $0xFFFFE003, lr  }
0x1b: {  	s9 =	sadd.s32 $0xFFFFFEF7, lr;
	s5 =	simm.s32 $0xFFFFFFFF;
	p2 =	slt.u32 s8, $0xFFFFF086  }
0x1c: {  	p1 =	slt.u32 s9, $0xF7A;
	s5 =	simm.s32 @!p2 $0x0  }
0x1d: {  	s5 =	simm.s32 @p1 $0x1;
	p0 =	seq.s32 s7, s2  }
0x1e: {  	s7 =	smul.u32 @!p0 $0xF7A, s2;
	p2 =	seq.s32 @!p0 s5, $0x0  }
0x1f: {  	s9 =	smul.u32 $0xF7A, s1;
	s8 =	simm.s32 @!p0 $0x1BF5;
	p2 =	por !p2, p0  }
0x20: {  	[sflag:s8] =	ssyncset.s32 @!p0 $0xFFFFF086;
	s6 =	sadd.s32 @!p0 s3, s7;
	s7 =	simm.s32 @!p0 $0x108  }
0x21: {  	s3 =	sadd.s32 s3, s9;
	s6 =	sadd.s32 @!p0 $0x88, s6;
	s7 =	simm.s32 @p2 $0x1082  }
0x22: {  	[simem:s7], [sflag:s8] =	dma.local @!p0 [hbm:s6], $0xF7A  }
0x23: {  	s9 =	sor.u32 $0xD0000000, s2;
	s6 =	simm.s32 $0x108;
	_ =	swait.ge @!p0 [sflag:s8], $0x0  }
0x24: {  	s3 =	sadd.s32 $0x88, s3;
	s6 =	simm.s32 @!p1 $0x1082;
	[sflag:s4] =	ssyncset.s32 $0xFFFFF086  }
0x25: {  	[simem:s6], [sflag:s4] =	dma.local [hbm:s3], $0xF7A  }
0x26: {  	[smem:$0x3F91] =	sst s1;
	(tag) =	ssettag s2;
	_ =	strace s9  }
0x27: {  	s1 =	sld [smem:$0x3FA1]  }
0x28: {  	s2 =	sld [smem:$0x3FA2]  }
0x29: {  	s4 =	sld [smem:$0x3FA4]  }
0x2a: {  	p0 =	seq.s32 s5, $0x0;
	s5 =	sld [smem:$0x3FA5]  }
0x2b: {  	s6 =	sld [smem:$0x3FA6]  }
0x2c: {  	s7 =	sld [smem:$0x3FA7]  }
0x2d: {  	s3 =	simm.s32 $0x108;
	s8 =	sld [smem:$0x3FA8]  }
0x2e: {  	s3 =	simm.s32 @!p0 $0x1082;
	s9 =	sld [smem:$0x3FA9]  }
0x2f: {  	lr =	sadd.s32 s0, s3;
	s0 =	sld [smem:$0x3FA0]  }
0x30: {  	s3 =	sld [smem:$0x3FA3]  }
0x31: {  	[smem:$0x3FAC] =	sst s10  }
0x32: {  	s10 =	sld [smem:$0x3FAA];
	_ =	sdelay $0x3  }
0x33: {  	p0 =	seq.s32 s10, $0x1;
	s10 =	sld [smem:$0x3FAC];
	_ =	sdelay $0x3  }
0x34: {  	[smem:$0x3FAC] =	sst s10  }
0x35: {  	s10 =	sld [smem:$0x3FAB];
	_ =	sdelay $0x3  }
0x36: {  	p1 =	seq.s32 s10, $0x1;
	s10 =	sld [smem:$0x3FAC];
	_ =	sdelay $0x3  }
0x37: {  	[smem:$0x3FAC] =	sst s10  }
0x38: {  	s10 =	sld [smem:$0x3FAD]  }
0x39: {  	_ = 	snop;
	(pc) =	sbr.ind lr, $3  }
0x3a: {  	_ = 	snop  }
0x3b: {  	_ = 	snop  }
0x3c: {  	p2 =	seq.s32 s10, $0x1;
	s10 =	sld [smem:$0x3FAC]  }
0x3d: {  	_ =	shalt  }
0x3e: {  	_ =	shalt  }
0x3f: {  	_ =	shalt  }
0x40: {  	_ =	shalt  }
0x41: {  	_ =	shalt  }
0x42: {  	_ =	shalt  }
0x43: {  	_ =	shalt  }
0x44: {  	_ =	shalt  }
0x45: {  	_ =	shalt  }
0x46: {  	_ =	shalt  }
0x47: {  	_ =	shalt  }
0x48: {  	_ =	shalt  }
0x49: {  	_ =	shalt  }
0x4a: {  	_ =	shalt  }
0x4b: {  	_ =	shalt  }
0x4c: {  	_ =	shalt  }
0x4d: {  	_ =	shalt  }
0x4e: {  	_ =	shalt  }
0x4f: {  	_ =	shalt  }
0x50: {  	_ =	shalt  }
0x51: {  	_ =	shalt  }
0x52: {  	_ =	shalt  }
0x53: {  	_ =	shalt  }
0x54: {  	_ =	shalt  }
0x55: {  	_ =	shalt  }
0x56: {  	_ =	shalt  }
0x57: {  	_ =	shalt  }
0x58: {  	_ =	shalt  }
0x59: {  	_ =	shalt  }
0x5a: {  	_ =	shalt  }
0x5b: {  	_ =	shalt  }
0x5c: {  	_ =	shalt  }
0x5d: {  	_ =	shalt  }
0x5e: {  	_ =	shalt  }
0x5f: {  	_ =	shalt  }
0x60: {  	_ =	shalt  }
0x61: {  	_ =	shalt  }
0x62: {  	_ =	shalt  }
0x63: {  	_ =	shalt  }
0x64: {  	_ =	shalt  }
0x65: {  	_ =	shalt  }
0x66: {  	_ =	shalt  }
0x67: {  	_ =	shalt  }
0x68: {  	_ =	shalt  }
0x69: {  	_ =	shalt  }
0x6a: {  	_ =	shalt  }
0x6b: {  	_ =	shalt  }
0x6c: {  	_ =	shalt  }
0x6d: {  	_ =	shalt  }
0x6e: {  	_ =	shalt  }
0x6f: {  	_ =	shalt  }
0x70: {  	_ =	shalt  }
0x71: {  	_ =	shalt  }
0x72: {  	_ =	shalt  }
0x73: {  	_ =	shalt  }
0x74: {  	_ =	shalt  }
0x75: {  	_ =	shalt  }
0x76: {  	_ =	shalt  }
0x77: {  	_ =	shalt  }
0x78: {  	_ =	shalt  }
0x79: {  	_ =	shalt  }
0x7a: {  	_ =	shalt  }
0x7b: {  	_ =	shalt  }
0x7c: {  	_ =	shalt  }
0x7d: {  	_ =	shalt  }
0x7e: {  	_ =	shalt  }
0x7f: {  	_ =	shalt  }
0x80: {  	_ =	shalt  }
0x81: {  	_ =	shalt  }
0x82: {  	_ =	shalt  }
0x83: {  	_ =	shalt  }
0x84: {  	_ =	shalt  }
0x85: {  	_ =	shalt  }
0x86: {  	_ =	shalt  }
0x87: {  	_ =	shalt  }
.Lfunc_end0:
.L_simem_size_0:
called_computation_lowered:
.L_overlay_start_0:
0x88: {  	s2 =	sld [smem:$0x3FD9]  }
0x89: {  	s3 =	sld [smem:$0x3FFE];
	_ =	sdelay $0x1  }
0x8a: {  	s1 =	srdreg.scid  }
0x8b: {  	s0 =	sand.u32 $0x1, s1  }
0x8c: {  	s17 =	sshll.u32 s0, $0xA;
	s2 =	sadd.s32 s3, s2  }
0x8d: {  	s2 =	sadd.s32 s2, s17  }
0x8e: {  	[smem:$0x3FB8] =	sst s2  }
0x8f: {  	_ = 	snop  }
0x90: {  	s2 =	sld [smem:$0x3FC6]  }
0x91: {  	s18 =	sld [smem:$0x3FD0];
	(tm) =	ssettm $0x1  }
0x92: {  	s4 =	sld [smem:$0x3FFB];
	_ =	sdelay $0x3  }
0x93: {  	_ =	strace s4  }
0x94: {  	s4 =	sld [smem:$0x3FFC];
	_ =	sdelay $0x3  }
0x95: {  	_ =	strace s4  }
0x96: {  	s4 =	sld [smem:$0x3FFD];
	_ =	sdelay $0x3  }
0x97: {  	_ =	strace s4  }
0x98: {  	_ =	strace $0x8FFFFFFF  }
0x99: {  	s19 =	sld [smem:$0x3FDB];
	_ =	sdelay $0x1  }
0x9a: {  	s5 =	simm.s32 $_scs_section_size  }
0x9b: {  	s6 =	simm.s32 $_size__tile_overlayer_lowered;
	s7 =	simm.s32 $_tile_overlayer_lowered  }
0x9c: {  	s22 =	simm.s32 $0x1BFF;
	s21 =	sshll.u32 s7, $0x1;
	s4 =	sadd.s32 s5, s19  }
0x9d: {  	s8 =	simm.s32 $0x0;
	s20 =	sshll.u32 s6, $0x1;
	s6 =	sadd.s32 s21, s4  }
0x9e: {  	[timem:s8], [sflag:s22] =	dma.local [hbm:s6], s20  }
0x9f: {  	_ =	swait.ge [sflag:s22], s20  }
0xa0: {  	s5 =	ssub.s32 $0x0, s20;
	[sflag:s22] =	ssyncset.done $0x0  }
0xa1: {  	[sflag:s22] =	ssyncadd.s32 s5;
	_ =	sdelay $0x1  }
0xa2: {  	s23 =	simm.s32 $0x1B8B  }
0xa3: {  	_ =	swait.ge [sflag:s23], $0x1  }
0xa4: {  	[sflag:s23] =	ssyncset.done $0x0  }
0xa5: {  	s25 =	simm.s32 $0x1B8E;
	s24 =	sld [smem:$0x3FFE];
	[sflag:s23] =	ssyncadd.s32 $0xFFFFFFFF  }
0xa6: {  	s26 =	simm.s32 $execute0_lowered;
	[smem:$0x3FD2] =	sst s25  }
0xa7: {  	s6 =	sshll.u32 s26, $0x1;
	_ =	strace $0x80000046;
	[dreg:$0x1] =	wrdreg $0xFFFFFFFF  }
0xa8: {  	s28 =	simm.s32 $_size_execute0_lowered;
	s4 =	sadd.s32 s4, s6;
	[dreg:$0x0] =	wrdreg $0x0  }
0xa9: {  	s6 =	sshll.u32 s28, $0x1;
	[dreg:$0x2] =	wrdreg s4  }
0xaa: {  	[dreg:$0x3] =	wrdreg s6  }
0xab: {  	[dreg:$0x4] =	wrdreg $0xC0  }
0xac: {  	_ =	task [dreg:s8], $0x5FFFF  }
0xad: {  	[dreg:$0x1] =	wrdreg $0xFFFFFFFF  }
0xae: {  	[dreg:$0x0] =	wrdreg $0x60  }
0xaf: {  	[dreg:$0x2] =	wrdreg s18  }
0xb0: {  	[dreg:$0x3] =	wrdreg s2  }
0xb1: {  	[dreg:$0x4] =	wrdreg s24  }
0xb2: {  	[dreg:$0x5] =	wrdreg $0x9  }
0xb3: {  	_ =	task.clear_ibuf [dreg:s8], $0x6FFFF;
	_ =	strace $0x90000046  }
0xb4: {  	s29 =	simm.s32 $0x9;
	_ =	strace $0x80000048  }
0xb5: {  	_ =	swait.ge [sflag:s29], $0x1  }
0xb6: {  	[sflag:s29] =	ssyncadd.s32 $0xFFFFFFFF  }
0xb7: {  	_ =	strace $0x90000048  }
0xb8: {  	_ =	sfence  }
0xb9: {  	s30 =	sld [smem:$0x0];
	_ =	sdelay $0x2  }
0xba: {  	s31 =	sshll.u32 s1, $0xD;
	s1 =	sshrl.u32 s1, $0x2  }
0xbb: {  	s3 =	sand.u32 $0x4000, s31;
	s1 =	sadd.s32 s1, s30  }
0xbc: {  	s0 =	sor.u32 s3, s0;
	s1 =	sshll.u32 s1, $0x11  }
0xbd: {  	s0 =	sor.u32 s1, s0  }
0xbe: {  	s0 =	sadd.s32 $0x8F2B, s0  }
0xbf: {  	[sflag:s0] =	ssyncadd.remote.s32 $0x1  }
0xc0: {  	_ =	sfence.sel $0xFFFF  }
0xc1: {  	[dreg:$0x0] =	wrdreg $0xFFFFFFFF;
	(pc) =	sbr.abs _section_cstart, $3  }
0xc2: {  	[dreg:$0x1] =	wrdreg $0xFFFFFFFF  }
0xc3: {  	_ =	task.clear_ibuf [dreg:s8], $0x2FFFF;
	_ =	strace $0x9FFFFFFF  }
0xc4: {  	(tm) =	ssettm $0x7FFFFFFF  }
0xc5: {  	_ =	shalt  }
tec
execute0_lowered:
.L_overlay_start_1:
0x0: {  	(tag) =	ssettag $0x1  }
0x1: {  	s1 =	rddreg [dreg:$0x0]  }
0x2: {  	s0 =	stileid.u32;
	s6 =	rddreg [dreg:$0x1]  }
0x3: {  	s2 =	srdreg.scid;
	s7 =	rddreg [dreg:$0x2]  }
0x4: {  	s3 =	simm.s32 $0x0;
	s11 =	simm.s32 $0x0;
	s4 =	smul.u32 $0x4E200, s0  }
0x5: {  	s5 =	sand.u32 $0x1, s2;
	s2 =	rddreg [dreg:$0x3];
	s9 =	smul.u32 $0x4E20, s0  }
0x6: {  	[smem:$0x7FF] =	sst s3;
	s8 =	smul.u32 $0x27100, s5;
	s10 =	ssub.s32 $0x2, s5  }
0x7: {  	s5 =	smul.u32 $0x2710, s5;
	s4 =	sadd.s32 s4, s7;
	s30 =	sshrl.u32 s10, $0x1  }
0x8: {  	_ =	strace $0x80000047;
	s7 =	ssub.s32 s10, s30;
	s8 =	sadd.s32 s8, s4  }
0x9: {  	s9 =	sadd.s32 s5, s9;
	s10 =	simm.s32 $0x1;
	s4 =	smax.u32 s7, $0x1  }
0xa: {  	s5 =	sadd.s32 $0x2BE00, s8;
	s31 =	sshrl.u32 s9, $0x3;
	s7 =	simm.s32 $0x2  }
0xb: {  	s8 =	simm.s32 $0x50;
	s9 =	simm.s32 $0x80;
	s6 =	sadd.s32 s31, s6  }
.LBB2_1:
0xc: {  	s12 =	sadd.s32 $0x0, s6  }
0xd: {  	[tilespmem:s3], [sflag:$0x2] =	stream.linear.gather [hbm4b:s12+s3], $0x50, $0x38;
	[tilespmem:$0x2880] =	vst v63  }
0xe: {  	_ =	swait.ge [sflag:s7], $0x50  }
0xf: {  	[sflag:s7] =	ssyncset.done $0x0  }
0x10: {  	[sflag:s7] =	ssyncadd.s32 $0xFFFFFFB0  }
0x11: {  	[tilespmem:s9], [sflag:$0x1] =	stream.indirect.gather [hbm4b:s1+s8], $0x80, s3, s8, $0xb8;
	[tilespmem:$0x2880] =	vst v63  }
0x12: {  	_ =	swait.ge [sflag:s10], $0x2800  }
0x13: {  	[sflag:s10] =	ssyncset.done $0x0  }
0x14: {  	[sflag:s10] =	ssyncadd.s32 $0xFFFFD800  }
0x15: {  	[hbm4b:s5+s3] =	stream.linear.scatter [tilespmem:s9], [sflag:$0x2], $0x2800, $0x38;
	[tilespmem:$0x2880] =	vst v63  }
0x16: {  	s13 =	simm.s32 $0xA;
	_ =	swait.ge [sflag:s7], $0x2800  }
0x17: {  	s14 =	simm.s32 $0x14;
	s12 =	sadd.s32 $0x500, s5;
	[sflag:s7] =	ssyncset.done $0x0  }
.LBB2_2:
0x18: {  	s15 =	sadd.s32 s13, s6  }
0x19: {  	[sflag:s7] =	ssyncadd.s32 $0xFFFFD800;
	s13 =	smov.u32 s14;
	s16 =	sadd.s32 $0xA, s14  }
0x1a: {  	[tilespmem:s3], [sflag:$0x2] =	stream.linear.gather [hbm4b:s15+s3], $0x50, $0x38;
	[tilespmem:$0x2880] =	vst v63  }
0x1b: {  	p0 =	sne.s32 s14, $0x4D8;
	_ =	swait.ge [sflag:s7], $0x50  }
0x1c: {  	[sflag:s7] =	ssyncset.done $0x0  }
0x1d: {  	[sflag:s7] =	ssyncadd.s32 $0xFFFFFFB0  }
0x1e: {  	[tilespmem:s9], [sflag:$0x1] =	stream.indirect.gather [hbm4b:s1+s8], $0x80, s3, s8, $0xb8;
	[tilespmem:$0x2880] =	vst v63  }
0x1f: {  	_ =	swait.ge [sflag:s10], $0x2800  }
.Ltmp0:
0x20: {  	[sflag:s10] =	ssyncset.done $0x0;
	(pc) =	sbr.rel @p0 .LBB2_2-.Ltmp0, $4  }
0x21: {  	[sflag:s10] =	ssyncadd.s32 $0xFFFFD800  }
0x22: {  	[hbm4b:s12+s3] =	stream.linear.scatter [tilespmem:s9], [sflag:$0x2], $0x2800, $0x38;
	[tilespmem:$0x2880] =	vst v63  }
0x23: {  	_ =	swait.ge [sflag:s7], $0x2800  }
0x24: {  	s14 =	smov.u32 s16;
	s12 =	sadd.s32 $0x500, s12;
	[sflag:s7] =	ssyncset.done $0x0  }
0x25: {  	s13 =	sadd.s32 s13, s6;
	[sflag:s7] =	ssyncadd.s32 $0xFFFFD800  }
0x26: {  	[tilespmem:s3], [sflag:$0x2] =	stream.linear.gather [hbm4b:s13+s3], $0x50, $0x38;
	[tilespmem:$0x2880] =	vst v63  }
0x27: {  	_ =	swait.ge [sflag:s7], $0x50  }
0x28: {  	[sflag:s7] =	ssyncset.done $0x0  }
0x29: {  	[sflag:s7] =	ssyncadd.s32 $0xFFFFFFB0  }
0x2a: {  	[tilespmem:s9], [sflag:$0x1] =	stream.indirect.gather [hbm4b:s1+s8], $0x80, s3, s8, $0xb8;
	[tilespmem:$0x2880] =	vst v63  }
0x2b: {  	s11 =	sadd.s32 $0x1, s11;
	_ =	swait.ge [sflag:s10], $0x2800  }
0x2c: {  	p0 =	sne.s32 s11, s4;
	[sflag:s10] =	ssyncset.done $0x0  }
.Ltmp1:
0x2d: {  	[sflag:s10] =	ssyncadd.s32 $0xFFFFD800;
	(pc) =	sbr.rel @p0 .LBB2_1-.Ltmp1, $4  }
0x2e: {  	[hbm4b:s12+s3] =	stream.linear.scatter [tilespmem:s9], [sflag:$0x2], $0x2800, $0x38;
	[tilespmem:$0x2880] =	vst v63  }
0x2f: {  	_ =	swait.ge [sflag:s7], $0x2800  }
0x30: {  	[sflag:s7] =	ssyncset.done $0x0  }
0x31: {  	[sflag:s7] =	ssyncadd.s32 $0xFFFFD800  }
0x32: {  	_ =	sfence.sel $0x180000  }
0x33: {  	[bflag:$0x0] =	sbarrier.arrive $0xFFFF  }
0x34: {  	p0 =	sne.s32 s0, $0x0;
	_ =	strace $0x90000047  }
0x35: {  	s0 =	sadd.s32 @!p0 $0x100000, s2;
	[bflag:$0x2] =	sbarrier.arrive $0xFFFF  }
0x36: {  	[sflag:s0] =	ssyncadd.tile.s32 @!p0 $0x1;
	_ =	shalt  }
.Lfunc_end2:
_tile_overlayer_lowered:
.L_overlay_start_2:
0x37: {  	(tag) =	ssettag $0x2  }
0x38: {  	s0 =	rddreg [dreg:$0x0];
	s2 =	stileid.u32  }
0x39: {  	s1 =	rddreg [dreg:$0x1];
	p0 =	sne.s32 s2, $0x0  }
0x3a: {  	s3 =	rddreg [dreg:$0x2];
	[bflag:$0x3] =	sbarrier.arrive $0xFFFF;
	s2 =	simm.s32 @!p0 $0x1C02  }
0x3b: {  	[timem:s3], [sflag:s2] =	dma.local @!p0 [hbm:s0], s1  }
0x3c: {  	s0 =	simm.s32 @!p0 $0x2  }
0x3d: {  	_ =	swait.ge @!p0 [sflag:s0], s1  }
0x3e: {  	s1 =	ssub.s32 @!p0 $0x0, s1;
	[sflag:s0] =	ssyncset.done @!p0 $0x0  }
0x3f: {  	[sflag:s0] =	ssyncadd.s32 @!p0 s1  }
0x40: {  	[bflag:$0x3] =	sbarrier.arrive $0xFFFF  }
0x41: {  	_ =	shalt  }

</sc_bundles>
